<compile_context>
chip_gen: v7x
topology: tpu7x:2x2x1
jax: 0.10.2.dev20260603
libtpu: 0.0.44.dev20260713+nightly
codegen_flags: <defaults>
</compile_context>

<pallas_src>
import jax
import jax.numpy as jnp
from jax import lax
from jax.experimental import pallas as pl
from jax.experimental.pallas import tpu as pltpu
from jax.experimental.pallas import tpu_sc as plsc

N_NODES = 10000
N_EDGES = 320000
D_IN, D_HID, D_OUT = 128, 64, 32

NC, NS = 2, 16
NW = NC * NS
EB = 128
NR = N_EDGES // EB
KB_LO = NR // NW
KB_EXTRA = NR - KB_LO * NW
KB = KB_LO + 1
RPT = 640
N_ACC = NS * RPT

_ROWS = 2000
_GRID = N_NODES // _ROWS


def _pack_bf16_pairs(y, d):
    u = lax.bitcast_convert_type(y, jnp.int32)
    rb = ((u + 0x7FFF + ((u >> 16) & 1)) >> 16) & 0xFFFF
    parts = []
    for g in range(d // 32):
        lo = rb[:, 32 * g:32 * g + 16]
        hi = rb[:, 32 * g + 16:32 * g + 32]
        parts.append(lo | (hi << 16))
    return parts[0] if len(parts) == 1 else jnp.concatenate(parts, axis=1)


def _lin1_body(x_ref, wl_ref, wr_ref, b_ref, y_ref, r_ref):
    xb = x_ref[...]
    dn = (((1,), (1,)), ((), ()))
    y = lax.dot_general(xb, wl_ref[...], dn,
                        preferred_element_type=jnp.float32)
    y_ref[...] = _pack_bf16_pairs(y, D_HID)
    r_ref[...] = lax.dot_general(xb, wr_ref[...], dn,
                                 preferred_element_type=jnp.float32) + b_ref[...]


_lin1 = pl.pallas_call(
    _lin1_body,
    grid=(_GRID,),
    in_specs=[
        pl.BlockSpec((_ROWS, D_IN), lambda i: (i, 0)),
        pl.BlockSpec((D_HID, D_IN), lambda i: (0, 0)),
        pl.BlockSpec((D_HID, D_IN), lambda i: (0, 0)),
        pl.BlockSpec((1, D_HID), lambda i: (0, 0)),
    ],
    out_specs=[pl.BlockSpec((_ROWS, D_HID // 2), lambda i: (i, 0)),
               pl.BlockSpec((_ROWS, D_HID), lambda i: (i, 0))],
    out_shape=[jax.ShapeDtypeStruct((N_NODES, D_HID // 2), jnp.int32),
               jax.ShapeDtypeStruct((N_NODES, D_HID), jnp.float32)],
)


def _mid_body(s_ref, c_ref, r1_ref, wl_ref, wr_ref, b_ref, y_ref, r_ref):
    c = c_ref[0] + c_ref[1]
    inv = 1.0 / jnp.maximum(c[:, 0:1], 1.0)
    h = jnp.maximum((s_ref[0] + s_ref[1]) * inv + r1_ref[...], 0.0)
    dn = (((1,), (1,)), ((), ()))
    y = lax.dot_general(h, wl_ref[...], dn,
                        preferred_element_type=jnp.float32)
    y_ref[...] = _pack_bf16_pairs(y, D_OUT)
    r_ref[...] = lax.dot_general(h, wr_ref[...], dn,
                                 preferred_element_type=jnp.float32) + b_ref[...]


_mid = pl.pallas_call(
    _mid_body,
    grid=(_GRID,),
    in_specs=[
        pl.BlockSpec((NC, _ROWS, D_HID), lambda i: (0, i, 0)),
        pl.BlockSpec((NC, _ROWS, 16), lambda i: (0, i, 0)),
        pl.BlockSpec((_ROWS, D_HID), lambda i: (i, 0)),
        pl.BlockSpec((D_OUT, D_HID), lambda i: (0, 0)),
        pl.BlockSpec((D_OUT, D_HID), lambda i: (0, 0)),
        pl.BlockSpec((1, D_OUT), lambda i: (0, 0)),
    ],
    out_specs=[pl.BlockSpec((_ROWS, D_OUT // 2), lambda i: (i, 0)),
               pl.BlockSpec((_ROWS, D_OUT), lambda i: (i, 0))],
    out_shape=[jax.ShapeDtypeStruct((N_NODES, D_OUT // 2), jnp.int32),
               jax.ShapeDtypeStruct((N_NODES, D_OUT), jnp.float32)],
)


def _out_body(s_ref, c_ref, r2_ref, o_ref):
    c = c_ref[0] + c_ref[1]
    inv = 1.0 / jnp.maximum(c[:, 0:1], 1.0)
    o_ref[...] = (s_ref[0] + s_ref[1]) * inv + r2_ref[...]


_out = pl.pallas_call(
    _out_body,
    grid=(_GRID,),
    in_specs=[
        pl.BlockSpec((NC, _ROWS, D_OUT), lambda i: (0, i, 0)),
        pl.BlockSpec((NC, _ROWS, 16), lambda i: (0, i, 0)),
        pl.BlockSpec((_ROWS, D_OUT), lambda i: (i, 0)),
    ],
    out_specs=pl.BlockSpec((_ROWS, D_OUT), lambda i: (i, 0)),
    out_shape=jax.ShapeDtypeStruct((N_NODES, D_OUT), jnp.float32),
)


_SC_PARAMS = pltpu.CompilerParams(use_tc_tiling_on_sc=False)


def _make_agg(D):
    mesh = plsc.VectorSubcoreMesh(core_axis_name="c", subcore_axis_name="s")
    out_type = [jax.ShapeDtypeStruct((NC, N_ACC, D), jnp.float32)]
    G = D // 32
    scratch = [
        pltpu.VMEM((KB, EB), jnp.int32),
        pltpu.VMEM((KB, EB), jnp.int32),
        pltpu.VMEM((2 * EB, D // 2), jnp.int32),
        pltpu.VMEM((2 * EB, D), jnp.float32),
        pltpu.VMEM_SHARED((N_ACC, D), jnp.float32),
        pltpu.SemaphoreType.DMA,
        pltpu.SemaphoreType.DMA,
    ]

    def body(y_hbm, e_hbm, z_hbm, acc_out,
             src_v, dst_v, rbf_v, rf_v, acc_sh, sem_g, sem_s):
        cid = lax.axis_index("c")
        sid = lax.axis_index("s")
        wid = sid * NC + cid
        nb = KB_LO + (wid < KB_EXTRA).astype(jnp.int32)
        off = KB - nb
        start = KB_LO * wid + jnp.minimum(wid, KB_EXTRA) - off
        pltpu.sync_copy(z_hbm, acc_sh.at[pl.ds(sid * RPT, RPT)])
        pltpu.sync_copy(e_hbm.at[0, pl.ds(start, KB)], src_v)
        pltpu.sync_copy(e_hbm.at[1, pl.ds(start, KB)], dst_v)
        plsc.subcore_barrier()

        pltpu.async_copy(y_hbm.at[src_v.at[off]], rbf_v.at[pl.ds(0, EB)],
                         sem_g)

        def step(j, carry):
            b = lax.rem(j, 2)
            base = b * EB
            pltpu.make_async_copy(
                y_hbm.at[src_v.at[j + off]], rbf_v.at[pl.ds(base, EB)],
                sem_g).wait()

            @pl.when(j >= 2)
            def _():
                pltpu.make_async_copy(
                    rf_v.at[pl.ds(base, EB)], acc_sh.at[dst_v.at[j + off]],
                    sem_s).wait()

            @pl.when(j + 1 < nb)
            def _():
                pltpu.async_copy(
                    y_hbm.at[src_v.at[j + 1 + off]],
                    rbf_v.at[pl.ds((EB - base), EB)], sem_g)

            def conv(r, c2):
                row = base + r
                for g in range(G):
                    w = rbf_v[row, pl.ds(16 * g, 16)]
                    rf_v[row, pl.ds(32 * g, 16)] = lax.bitcast_convert_type(
                        w << 16, jnp.float32)
                    rf_v[row, pl.ds(32 * g + 16, 16)] = lax.bitcast_convert_type(
                        w & jnp.int32(-65536), jnp.float32)
                return c2

            lax.fori_loop(0, EB, conv, 0)
            pltpu.async_copy(
                rf_v.at[pl.ds(base, EB)], acc_sh.at[dst_v.at[j + off]],
                sem_s, add=True)
            return carry

        lax.fori_loop(0, nb, step, 0)
        for _ in range(2):
            pltpu.make_async_copy(
                rf_v.at[pl.ds(0, EB)], acc_sh.at[dst_v.at[0]],
                sem_s).wait()
        plsc.subcore_barrier()
        pltpu.sync_copy(acc_sh.at[pl.ds(sid * RPT, RPT)],
                        acc_out.at[cid, pl.ds(sid * RPT, RPT)])

    return pl.kernel(body, out_type=out_type, mesh=mesh,
                     scratch_types=scratch, compiler_params=_SC_PARAMS)


def _counts_body(e_hbm, z16_hbm, ones_hbm, cnt_out,
                 dst_v, ones_v, cnt_sh):
    cid = lax.axis_index("c")
    sid = lax.axis_index("s")
    wid = sid * NC + cid
    nb = KB_LO + (wid < KB_EXTRA).astype(jnp.int32)
    off = KB - nb
    start = KB_LO * wid + jnp.minimum(wid, KB_EXTRA) - off
    pltpu.sync_copy(z16_hbm, cnt_sh.at[pl.ds(sid * RPT, RPT)])
    pltpu.sync_copy(ones_hbm, ones_v)
    pltpu.sync_copy(e_hbm.at[1, pl.ds(start, KB)], dst_v)
    plsc.subcore_barrier()

    def step(j, carry):
        pltpu.sync_copy(ones_v, cnt_sh.at[dst_v.at[j + off]], add=True)
        return carry

    lax.fori_loop(0, nb, step, 0)
    plsc.subcore_barrier()
    pltpu.sync_copy(cnt_sh.at[pl.ds(sid * RPT, RPT)],
                    cnt_out.at[cid, pl.ds(sid * RPT, RPT)])


_counts = pl.kernel(
    _counts_body,
    out_type=[jax.ShapeDtypeStruct((NC, N_ACC, 16), jnp.float32)],
    mesh=plsc.VectorSubcoreMesh(core_axis_name="c", subcore_axis_name="s"),
    scratch_types=[
        pltpu.VMEM((KB, EB), jnp.int32),
        pltpu.VMEM((EB, 16), jnp.float32),
        pltpu.VMEM_SHARED((N_ACC, 16), jnp.float32),
    ],
    compiler_params=_SC_PARAMS,
)


_agg_hid = _make_agg(D_HID)
_agg_out = _make_agg(D_OUT)


def kernel(x, edge_index, W1_l, b1, W1_r, W2_l, b2, W2_r):
    e3 = edge_index.astype(jnp.int32).reshape(2, NR, EB)
    z_hid = jnp.zeros((RPT, D_HID), jnp.float32)
    z_out = jnp.zeros((RPT, D_OUT), jnp.float32)
    z16 = jnp.zeros((RPT, 16), jnp.float32)
    ones = jnp.ones((EB, 16), jnp.float32)

    y1p, r1 = _lin1(x, W1_l, W1_r, b1.reshape(1, D_HID))
    (accp,) = _agg_hid(y1p, e3, z_hid)
    (cntp,) = _counts(e3, z16, ones)
    y2p, r2 = _mid(accp, cntp, r1, W2_l, W2_r, b2.reshape(1, D_OUT))
    (accp2,) = _agg_out(y2p, e3, z_out)
    return _out(accp2, cntp, r2)

# --- scband reference (transcript-rebuilt; emitter-appended) ---
"""Pipeline reference for scband-code-graph-sage-69286412419258 (READ-ONLY COPY).

The authoritative reference and input builder live on the scoring server;
editing this copy changes nothing except your own understanding.
"""

import jax, jax.numpy as jnp
import numpy as np

N_NODES = 10000
N_EDGES = 320000
D_IN = 128
D_HID = 64
D_OUT = 32


def setup_inputs(seed: int = 0) -> dict:
    key = jax.random.key(seed)
    ks = jax.random.split(key, 8)
    x = jax.random.normal(ks[0], (N_NODES, D_IN), dtype=jnp.float32)
    edge_index = jax.random.randint(ks[1], (2, N_EDGES), 0, N_NODES, dtype=jnp.int64)
    # SAGEConv params (PyG convention): lin_l (neighbor aggr, with bias), lin_r (root, no bias)
    s1 = 1.0 / np.sqrt(D_IN)
    W1_l = jax.random.uniform(ks[2], (D_HID, D_IN), minval=-s1, maxval=s1, dtype=jnp.float32)
    b1 = jax.random.uniform(ks[3], (D_HID,), minval=-s1, maxval=s1, dtype=jnp.float32)
    W1_r = jax.random.uniform(ks[4], (D_HID, D_IN), minval=-s1, maxval=s1, dtype=jnp.float32)
    s2 = 1.0 / np.sqrt(D_HID)
    W2_l = jax.random.uniform(ks[5], (D_OUT, D_HID), minval=-s2, maxval=s2, dtype=jnp.float32)
    b2 = jax.random.uniform(ks[6], (D_OUT,), minval=-s2, maxval=s2, dtype=jnp.float32)
    W2_r = jax.random.uniform(ks[7], (D_OUT, D_HID), minval=-s2, maxval=s2, dtype=jnp.float32)
    return {"x": x, "edge_index": edge_index, "W1_l": W1_l, "b1": b1, "W1_r": W1_r,
            "W2_l": W2_l, "b2": b2, "W2_r": W2_r}


def _sage_conv(x, edge_index, W_l, b_l, W_r):
    src = edge_index[0]
    dst = edge_index[1]
    msgs = jnp.take(x, src, axis=0)                       # gather source features
    summed = jax.ops.segment_sum(msgs, dst, num_segments=N_NODES)  # scatter-add by dst
    counts = jax.ops.segment_sum(jnp.ones((msgs.shape[0],), dtype=x.dtype), dst,
                                 num_segments=N_NODES)
    mean = summed / jnp.clip(counts, 1.0, None)[:, None]  # mean aggregation (0 for isolated)
    return mean @ W_l.T + b_l + x @ W_r.T


def reference(x, edge_index, W1_l, b1, W1_r, W2_l, b2, W2_r):
    h = _sage_conv(x, edge_index, W1_l, b1, W1_r)
    h = jax.nn.relu(h)
    # dropout: identity in eval mode
    out = _sage_conv(h, edge_index, W2_l, b2, W2_r)
    return out

if __name__ == "__main__":
    import jax
    _d = setup_inputs()
    print(jax.jit(kernel)(*tuple(_d.values())))

</pallas_src>

<mosaic_0001>
#map = affine_map<(d0, d1) -> (0, 0)>
#map1 = affine_map<(d0, d1) -> (0, 0, 0)>
module attributes {stable_mosaic.version = 14 : i64} {
  func.func @body(%arg0: i32, %arg1: i32, %arg2: memref<10000x32xi32, #tpu.memory_space<hbm>>, %arg3: memref<2x2500x128xi32, #tpu.memory_space<hbm>>, %arg4: memref<640x64xf32, #tpu.memory_space<hbm>>, %arg5: memref<2x10240x64xf32, #tpu.memory_space<hbm>>, %arg6: memref<79x128xi32, #tpu.memory_space<vmem>>, %arg7: memref<79x128xi32, #tpu.memory_space<vmem>>, %arg8: memref<256x32xi32, #tpu.memory_space<vmem>>, %arg9: memref<256x64xf32, #tpu.memory_space<vmem>>, %arg10: memref<10240x64xf32, #tpu.memory_space<vmem_shared>>, %arg11: memref<!tpu.dma_semaphore, #tpu.memory_space<semaphore_mem>>, %arg12: memref<!tpu.dma_semaphore, #tpu.memory_space<semaphore_mem>>) attributes {dimension_semantics = [#tpu.dimension_semantics<core_parallel>, #tpu.dimension_semantics<subcore_parallel>], iteration_bounds = array<i64: 2, 16>, scalar_prefetch = 0 : i64, scratch_operands = 7 : i64, tpu.core_type = #tpu.core_type<sc_vector_subcore>, window_params = [{transform_indices = #map}, {transform_indices = #map1}, {transform_indices = #map}, {transform_indices = #map1}]} {
    %mul3A = arith.constant 2 : i32
    %mul3A_0 = arith.muli %arg1, %mul3A : i32
    %add3A = arith.addi %mul3A_0, %arg0 : i32
    %lt3A = arith.constant 4 : i32
    %lt3A_1 = arith.cmpi slt, %add3A, %lt3A : i32
    %convert_element_type3A = arith.extui %lt3A_1 : i1 to i32
    %add3A_2 = arith.constant 78 : i32
    %add3A_3 = arith.addi %add3A_2, %convert_element_type3A : i32
    %sub3A = arith.constant 79 : i32
    %sub3A_4 = arith.subi %sub3A, %add3A_3 : i32
    %mul3A_5 = arith.constant 78 : i32
    %mul3A_6 = arith.muli %mul3A_5, %add3A : i32
    %min3A = arith.constant 4 : i32
    %min3A_7 = arith.minsi %add3A, %min3A : i32
    %add3A_8 = arith.addi %mul3A_6, %min3A_7 : i32
    %sub3A_9 = arith.subi %add3A_8, %sub3A_4 : i32
    %mul3A_10 = arith.constant 640 : i32
    %mul3A_11 = arith.muli %arg1, %mul3A_10 : i32
    "tpu.region"() ({
      %run_scoped3A_54 = tpu.sem_alloc : memref<!tpu.dma_semaphore, #tpu.memory_space<semaphore_mem>>
      %dma_start3A_55 = arith.constant 0 : i32
      %dma_start3A_56 = tpu.memref_slice %arg10[%mul3A_11, %dma_start3A_55] : memref<10240x64xf32, #tpu.memory_space<vmem_shared>> -> memref<640x64xf32, #tpu.memory_space<vmem_shared>>
      tpu.enqueue_dma source(%arg4 : memref<640x64xf32, #tpu.memory_space<hbm>>) target(%dma_start3A_56 : memref<640x64xf32, #tpu.memory_space<vmem_shared>>) target_semaphore(%run_scoped3A_54 : memref<!tpu.dma_semaphore, #tpu.memory_space<semaphore_mem>>)
      %dma_wait3A_57 = arith.constant 0 : i32
      %dma_wait3A_58 = tpu.memref_slice %arg10[%mul3A_11, %dma_wait3A_57] : memref<10240x64xf32, #tpu.memory_space<vmem_shared>> -> memref<640x64xf32, #tpu.memory_space<vmem_shared>>
      tpu.wait_dma2 semaphore(%run_scoped3A_54 : memref<!tpu.dma_semaphore, #tpu.memory_space<semaphore_mem>>) src(%arg4 : memref<640x64xf32, #tpu.memory_space<hbm>>) dst(%dma_wait3A_58 : memref<640x64xf32, #tpu.memory_space<vmem_shared>>)
      tpu.yield
    }) : () -> ()
    %run_scoped3A = arith.constant 0 : i32
    "tpu.region"() ({
      %run_scoped3A_54 = tpu.sem_alloc : memref<!tpu.dma_semaphore, #tpu.memory_space<semaphore_mem>>
      %dma_start3A_55 = arith.constant 0 : i32
      %dma_start3A_56 = tpu.memref_slice %arg3[%run_scoped3A, %sub3A_9, %dma_start3A_55] : memref<2x2500x128xi32, #tpu.memory_space<hbm>> -> memref<1x79x128xi32, #tpu.memory_space<hbm>>
      %dma_start3A_57 = tpu.memref_squeeze %dma_start3A_56 : memref<1x79x128xi32, #tpu.memory_space<hbm>> -> memref<79x128xi32, #tpu.memory_space<hbm>>
      %dma_start3A_58 = arith.constant 0 : i32
      %dma_start3A_59 = tpu.memref_slice %arg3[%run_scoped3A, %sub3A_9, %dma_start3A_58] : memref<2x2500x128xi32, #tpu.memory_space<hbm>> -> memref<1x79x128xi32, #tpu.memory_space<hbm>>
      %dma_start3A_60 = tpu.memref_squeeze %dma_start3A_59 : memref<1x79x128xi32, #tpu.memory_space<hbm>> -> memref<79x128xi32, #tpu.memory_space<hbm>>
      tpu.enqueue_dma source(%dma_start3A_60 : memref<79x128xi32, #tpu.memory_space<hbm>>) target(%arg6 : memref<79x128xi32, #tpu.memory_space<vmem>>) target_semaphore(%run_scoped3A_54 : memref<!tpu.dma_semaphore, #tpu.memory_space<semaphore_mem>>)
      %dma_wait3A_61 = arith.constant 0 : i32
      %dma_wait3A_62 = tpu.memref_slice %arg3[%run_scoped3A, %sub3A_9, %dma_wait3A_61] : memref<2x2500x128xi32, #tpu.memory_space<hbm>> -> memref<1x79x128xi32, #tpu.memory_space<hbm>>
      %dma_wait3A_63 = tpu.memref_squeeze %dma_wait3A_62 : memref<1x79x128xi32, #tpu.memory_space<hbm>> -> memref<79x128xi32, #tpu.memory_space<hbm>>
      %dma_wait3A_64 = arith.constant 0 : i32
      %dma_wait3A_65 = tpu.memref_slice %arg3[%run_scoped3A, %sub3A_9, %dma_wait3A_64] : memref<2x2500x128xi32, #tpu.memory_space<hbm>> -> memref<1x79x128xi32, #tpu.memory_space<hbm>>
      %dma_wait3A_66 = tpu.memref_squeeze %dma_wait3A_65 : memref<1x79x128xi32, #tpu.memory_space<hbm>> -> memref<79x128xi32, #tpu.memory_space<hbm>>
      tpu.wait_dma2 semaphore(%run_scoped3A_54 : memref<!tpu.dma_semaphore, #tpu.memory_space<semaphore_mem>>) src(%dma_wait3A_66 : memref<79x128xi32, #tpu.memory_space<hbm>>) dst(%arg6 : memref<79x128xi32, #tpu.memory_space<vmem>>)
      tpu.yield
    }) : () -> ()
    %run_scoped3A_12 = arith.constant 1 : i32
    "tpu.region"() ({
      %run_scoped3A_54 = tpu.sem_alloc : memref<!tpu.dma_semaphore, #tpu.memory_space<semaphore_mem>>
      %dma_start3A_55 = arith.constant 0 : i32
      %dma_start3A_56 = tpu.memref_slice %arg3[%run_scoped3A_12, %sub3A_9, %dma_start3A_55] : memref<2x2500x128xi32, #tpu.memory_space<hbm>> -> memref<1x79x128xi32, #tpu.memory_space<hbm>>
      %dma_start3A_57 = tpu.memref_squeeze %dma_start3A_56 : memref<1x79x128xi32, #tpu.memory_space<hbm>> -> memref<79x128xi32, #tpu.memory_space<hbm>>
      %dma_start3A_58 = arith.constant 0 : i32
      %dma_start3A_59 = tpu.memref_slice %arg3[%run_scoped3A_12, %sub3A_9, %dma_start3A_58] : memref<2x2500x128xi32, #tpu.memory_space<hbm>> -> memref<1x79x128xi32, #tpu.memory_space<hbm>>
      %dma_start3A_60 = tpu.memref_squeeze %dma_start3A_59 : memref<1x79x128xi32, #tpu.memory_space<hbm>> -> memref<79x128xi32, #tpu.memory_space<hbm>>
      tpu.enqueue_dma source(%dma_start3A_60 : memref<79x128xi32, #tpu.memory_space<hbm>>) target(%arg7 : memref<79x128xi32, #tpu.memory_space<vmem>>) target_semaphore(%run_scoped3A_54 : memref<!tpu.dma_semaphore, #tpu.memory_space<semaphore_mem>>)
      %dma_wait3A_61 = arith.constant 0 : i32
      %dma_wait3A_62 = tpu.memref_slice %arg3[%run_scoped3A_12, %sub3A_9, %dma_wait3A_61] : memref<2x2500x128xi32, #tpu.memory_space<hbm>> -> memref<1x79x128xi32, #tpu.memory_space<hbm>>
      %dma_wait3A_63 = tpu.memref_squeeze %dma_wait3A_62 : memref<1x79x128xi32, #tpu.memory_space<hbm>> -> memref<79x128xi32, #tpu.memory_space<hbm>>
      %dma_wait3A_64 = arith.constant 0 : i32
      %dma_wait3A_65 = tpu.memref_slice %arg3[%run_scoped3A_12, %sub3A_9, %dma_wait3A_64] : memref<2x2500x128xi32, #tpu.memory_space<hbm>> -> memref<1x79x128xi32, #tpu.memory_space<hbm>>
      %dma_wait3A_66 = tpu.memref_squeeze %dma_wait3A_65 : memref<1x79x128xi32, #tpu.memory_space<hbm>> -> memref<79x128xi32, #tpu.memory_space<hbm>>
      tpu.wait_dma2 semaphore(%run_scoped3A_54 : memref<!tpu.dma_semaphore, #tpu.memory_space<semaphore_mem>>) src(%dma_wait3A_66 : memref<79x128xi32, #tpu.memory_space<hbm>>) dst(%arg7 : memref<79x128xi32, #tpu.memory_space<vmem>>)
      tpu.yield
    }) : () -> ()
    %barrier3A = arith.constant 0 : index
    tpu.barrier barrier_id(%barrier3A)
    %dma_start3A = arith.constant 0 : i32
    %dma_start3A_13 = arith.constant 0 : i32
    %dma_start3A_14 = tpu.memref_slice %arg8[%dma_start3A, %dma_start3A_13] : memref<256x32xi32, #tpu.memory_space<vmem>> -> memref<128x32xi32, #tpu.memory_space<vmem>>
    %dma_start3A_15 = arith.constant 0 : i32
    %dma_start3A_16 = tpu.memref_slice %arg6[%sub3A_4, %dma_start3A_15] : memref<79x128xi32, #tpu.memory_space<vmem>> -> memref<1x128xi32, #tpu.memory_space<vmem>>
    %dma_start3A_17 = tpu.memref_squeeze %dma_start3A_16 : memref<1x128xi32, #tpu.memory_space<vmem>> -> memref<128xi32, #tpu.memory_space<vmem>>
    %dma_start3A_18 = arith.constant 0 : i32
    %dma_start3A_19 = arith.constant 0 : i32
    %dma_start3A_20 = tpu.memref_slice %arg2[%dma_start3A_18, %dma_start3A_19] : memref<10000x32xi32, #tpu.memory_space<hbm>> -> memref<10000x32xi32, #tpu.memory_space<hbm>>
    tpu.enqueue_indirect_dma source(%dma_start3A_20 : memref<10000x32xi32, #tpu.memory_space<hbm>>) target(%dma_start3A_14 : memref<128x32xi32, #tpu.memory_space<vmem>>) offsets(%dma_start3A_17 : memref<128xi32, #tpu.memory_space<vmem>>) semaphore(%arg11 : memref<!tpu.dma_semaphore, #tpu.memory_space<semaphore_mem>>)
    %while3A = arith.constant 0 : i32
    %while3A_21 = arith.constant 0 : i32
    %while3A_22 = arith.subi %add3A_3, %while3A_21 : i32
    %while3A_23 = arith.addi %while3A_21, %while3A_22 : i32
    %while3A_24 = arith.constant 1 : i32
    %while3A_25 = arith.divsi %while3A_22, %while3A_24 : i32
    %while3A_26 = arith.muli %while3A_25, %while3A_24 : i32
    %while3A_27 = arith.addi %while3A_21, %while3A_26 : i32
    %while3A_28 = arith.constant 1 : i32
    scf.for %while3A_54 = %while3A_21 to %while3A_27 step %while3A_28  : i32 {
      %rem3A = arith.constant 2 : i32
      %rem3A_55 = arith.remsi %while3A_54, %rem3A : i32
      %mul3A_56 = arith.constant 128 : i32
      %mul3A_57 = arith.muli %rem3A_55, %mul3A_56 : i32
      %add3A_58 = arith.addi %while3A_54, %sub3A_4 : i32
      %dma_wait3A_59 = arith.constant 0 : i32
      %dma_wait3A_60 = tpu.memref_slice %arg8[%mul3A_57, %dma_wait3A_59] : memref<256x32xi32, #tpu.memory_space<vmem>> -> memref<128x32xi32, #tpu.memory_space<vmem>>
      %dma_wait3A_61 = arith.constant 0 : i32
      %dma_wait3A_62 = tpu.memref_slice %arg6[%add3A_58, %dma_wait3A_61] : memref<79x128xi32, #tpu.memory_space<vmem>> -> memref<1x128xi32, #tpu.memory_space<vmem>>
      %dma_wait3A_63 = tpu.memref_squeeze %dma_wait3A_62 : memref<1x128xi32, #tpu.memory_space<vmem>> -> memref<128xi32, #tpu.memory_space<vmem>>
      %dma_wait3A_64 = arith.constant 0 : i32
      %dma_wait3A_65 = arith.constant 0 : i32
      %dma_wait3A_66 = tpu.memref_slice %arg2[%dma_wait3A_64, %dma_wait3A_65] : memref<10000x32xi32, #tpu.memory_space<hbm>> -> memref<10000x32xi32, #tpu.memory_space<hbm>>
      tpu.wait_indirect_dma semaphore(%arg11 : memref<!tpu.dma_semaphore, #tpu.memory_space<semaphore_mem>>) src(%dma_wait3A_66 : memref<10000x32xi32, #tpu.memory_space<hbm>>) dst(%dma_wait3A_60 : memref<128x32xi32, #tpu.memory_space<vmem>>)
      %ge3A = arith.constant 2 : i32
      %ge3A_67 = arith.cmpi sge, %while3A_54, %ge3A : i32
      %convert_element_type3A_68 = arith.extui %ge3A_67 : i1 to i32
      %cond3A = arith.constant 0 : i32
      %cond3A_69 = arith.cmpi ne, %convert_element_type3A_68, %cond3A : i32
      scf.if %cond3A_69 {
        %add3A_90 = arith.addi %while3A_54, %sub3A_4 : i32
        %dma_wait3A_91 = arith.constant 0 : i32
        %dma_wait3A_92 = tpu.memref_slice %arg9[%mul3A_57, %dma_wait3A_91] : memref<256x64xf32, #tpu.memory_space<vmem>> -> memref<128x64xf32, #tpu.memory_space<vmem>>
        %dma_wait3A_93 = arith.constant 0 : i32
        %dma_wait3A_94 = tpu.memref_slice %arg7[%add3A_90, %dma_wait3A_93] : memref<79x128xi32, #tpu.memory_space<vmem>> -> memref<1x128xi32, #tpu.memory_space<vmem>>
        %dma_wait3A_95 = tpu.memref_squeeze %dma_wait3A_94 : memref<1x128xi32, #tpu.memory_space<vmem>> -> memref<128xi32, #tpu.memory_space<vmem>>
        %dma_wait3A_96 = arith.constant 0 : i32
        %dma_wait3A_97 = arith.constant 0 : i32
        %dma_wait3A_98 = tpu.memref_slice %arg10[%dma_wait3A_96, %dma_wait3A_97] : memref<10240x64xf32, #tpu.memory_space<vmem_shared>> -> memref<10240x64xf32, #tpu.memory_space<vmem_shared>>
        tpu.wait_indirect_dma semaphore(%arg12 : memref<!tpu.dma_semaphore, #tpu.memory_space<semaphore_mem>>) src(%dma_wait3A_92 : memref<128x64xf32, #tpu.memory_space<vmem>>) dst(%dma_wait3A_98 : memref<10240x64xf32, #tpu.memory_space<vmem_shared>>)
      } else {
      }
      %add3A_70 = arith.constant 1 : i32
      %add3A_71 = arith.addi %while3A_54, %add3A_70 : i32
      %lt3A_72 = arith.cmpi slt, %add3A_71, %add3A_3 : i32
      %convert_element_type3A_73 = arith.extui %lt3A_72 : i1 to i32
      %cond3A_74 = arith.constant 0 : i32
      %cond3A_75 = arith.cmpi ne, %convert_element_type3A_73, %cond3A_74 : i32
      scf.if %cond3A_75 {
        %add3A_90 = arith.constant 1 : i32
        %add3A_91 = arith.addi %while3A_54, %add3A_90 : i32
        %add3A_92 = arith.addi %add3A_91, %sub3A_4 : i32
        %sub3A_93 = arith.constant 128 : i32
        %sub3A_94 = arith.subi %sub3A_93, %mul3A_57 : i32
        %dma_start3A_95 = arith.constant 0 : i32
        %dma_start3A_96 = tpu.memref_slice %arg8[%sub3A_94, %dma_start3A_95] : memref<256x32xi32, #tpu.memory_space<vmem>> -> memref<128x32xi32, #tpu.memory_space<vmem>>
        %dma_start3A_97 = arith.constant 0 : i32
        %dma_start3A_98 = tpu.memref_slice %arg6[%add3A_92, %dma_start3A_97] : memref<79x128xi32, #tpu.memory_space<vmem>> -> memref<1x128xi32, #tpu.memory_space<vmem>>
        %dma_start3A_99 = tpu.memref_squeeze %dma_start3A_98 : memref<1x128xi32, #tpu.memory_space<vmem>> -> memref<128xi32, #tpu.memory_space<vmem>>
        %dma_start3A_100 = arith.constant 0 : i32
        %dma_start3A_101 = arith.constant 0 : i32
        %dma_start3A_102 = tpu.memref_slice %arg2[%dma_start3A_100, %dma_start3A_101] : memref<10000x32xi32, #tpu.memory_space<hbm>> -> memref<10000x32xi32, #tpu.memory_space<hbm>>
        tpu.enqueue_indirect_dma source(%dma_start3A_102 : memref<10000x32xi32, #tpu.memory_space<hbm>>) target(%dma_start3A_96 : memref<128x32xi32, #tpu.memory_space<vmem>>) offsets(%dma_start3A_99 : memref<128xi32, #tpu.memory_space<vmem>>) semaphore(%arg11 : memref<!tpu.dma_semaphore, #tpu.memory_space<semaphore_mem>>)
      } else {
      }
      %scan3A = arith.constant 0 : i32
      %scan3A_76 = arith.constant 0 : i32
      %scan3A_77 = arith.constant 128 : i32
      %scan3A_78 = arith.addi %scan3A_76, %scan3A_77 : i32
      %scan3A_79 = arith.constant 1 : i32
      scf.for %scan3A_90 = %scan3A_76 to %scan3A_78 step %scan3A_79  : i32 {
        %add3A_91 = arith.addi %mul3A_57, %scan3A_90 : i32
        %get3A = arith.index_cast %add3A_91 : i32 to index
        %get3A_92 = arith.constant 0 : index
        %get3A_93 = tpu.vector_load %arg8[%get3A, %get3A_92] {strides = array<i32>} : memref<256x32xi32, #tpu.memory_space<vmem>>, vector<1x16xi32>,
        %get3A_94 = vector.shape_cast %get3A_93 : vector<1x16xi32> to vector<16xi32>
        %shift_left3A = arith.constant 16 : i32
        %shift_left3A_95 = vector.broadcast %shift_left3A : i32 to vector<16xi32>
        %shift_left3A_96 = arith.shli %get3A_94, %shift_left3A_95 : vector<16xi32>
        %bitcast_convert_type3A = tpu.bitcast %shift_left3A_96 : vector<16xi32> -> vector<16xf32>
        %swap3A = arith.index_cast %add3A_91 : i32 to index
        %swap3A_97 = arith.constant 0 : index
        %swap3A_98 = tpu.vector_load %arg9[%swap3A, %swap3A_97] {strides = array<i32>} : memref<256x64xf32, #tpu.memory_space<vmem>>, vector<1x16xf32>,
        %swap3A_99 = vector.shape_cast %swap3A_98 : vector<1x16xf32> to vector<16xf32>
        %swap3A_100 = vector.shape_cast %bitcast_convert_type3A : vector<16xf32> to vector<1x16xf32>
        tpu.vector_store %arg9[%swap3A, %swap3A_97], %swap3A_100 {strides = array<i32>} : memref<256x64xf32, #tpu.memory_space<vmem>>, vector<1x16xf32>,
        %and3A = arith.constant -65536 : i32
        %and3A_101 = vector.broadcast %and3A : i32 to vector<16xi32>
        %and3A_102 = arith.andi %get3A_94, %and3A_101 : vector<16xi32>
        %bitcast_convert_type3A_103 = tpu.bitcast %and3A_102 : vector<16xi32> -> vector<16xf32>
        %swap3A_104 = arith.index_cast %add3A_91 : i32 to index
        %swap3A_105 = arith.constant 16 : index
        %swap3A_106 = tpu.vector_load %arg9[%swap3A_104, %swap3A_105] {strides = array<i32>} : memref<256x64xf32, #tpu.memory_space<vmem>>, vector<1x16xf32>,
        %swap3A_107 = vector.shape_cast %swap3A_106 : vector<1x16xf32> to vector<16xf32>
        %swap3A_108 = vector.shape_cast %bitcast_convert_type3A_103 : vector<16xf32> to vector<1x16xf32>
        tpu.vector_store %arg9[%swap3A_104, %swap3A_105], %swap3A_108 {strides = array<i32>} : memref<256x64xf32, #tpu.memory_space<vmem>>, vector<1x16xf32>,
        %get3A_109 = arith.index_cast %add3A_91 : i32 to index
        %get3A_110 = arith.constant 16 : index
        %get3A_111 = tpu.vector_load %arg8[%get3A_109, %get3A_110] {strides = array<i32>} : memref<256x32xi32, #tpu.memory_space<vmem>>, vector<1x16xi32>,
        %get3A_112 = vector.shape_cast %get3A_111 : vector<1x16xi32> to vector<16xi32>
        %shift_left3A_113 = arith.constant 16 : i32
        %shift_left3A_114 = vector.broadcast %shift_left3A_113 : i32 to vector<16xi32>
        %shift_left3A_115 = arith.shli %get3A_112, %shift_left3A_114 : vector<16xi32>
        %bitcast_convert_type3A_116 = tpu.bitcast %shift_left3A_115 : vector<16xi32> -> vector<16xf32>
        %swap3A_117 = arith.index_cast %add3A_91 : i32 to index
        %swap3A_118 = arith.constant 32 : index
        %swap3A_119 = tpu.vector_load %arg9[%swap3A_117, %swap3A_118] {strides = array<i32>} : memref<256x64xf32, #tpu.memory_space<vmem>>, vector<1x16xf32>,
        %swap3A_120 = vector.shape_cast %swap3A_119 : vector<1x16xf32> to vector<16xf32>
        %swap3A_121 = vector.shape_cast %bitcast_convert_type3A_116 : vector<16xf32> to vector<1x16xf32>
        tpu.vector_store %arg9[%swap3A_117, %swap3A_118], %swap3A_121 {strides = array<i32>} : memref<256x64xf32, #tpu.memory_space<vmem>>, vector<1x16xf32>,
        %and3A_122 = arith.constant -65536 : i32
        %and3A_123 = vector.broadcast %and3A_122 : i32 to vector<16xi32>
        %and3A_124 = arith.andi %get3A_112, %and3A_123 : vector<16xi32>
        %bitcast_convert_type3A_125 = tpu.bitcast %and3A_124 : vector<16xi32> -> vector<16xf32>
        %swap3A_126 = arith.index_cast %add3A_91 : i32 to index
        %swap3A_127 = arith.constant 48 : index
        %swap3A_128 = tpu.vector_load %arg9[%swap3A_126, %swap3A_127] {strides = array<i32>} : memref<256x64xf32, #tpu.memory_space<vmem>>, vector<1x16xf32>,
        %swap3A_129 = vector.shape_cast %swap3A_128 : vector<1x16xf32> to vector<16xf32>
        %swap3A_130 = vector.shape_cast %bitcast_convert_type3A_125 : vector<16xf32> to vector<1x16xf32>
        tpu.vector_store %arg9[%swap3A_126, %swap3A_127], %swap3A_130 {strides = array<i32>} : memref<256x64xf32, #tpu.memory_space<vmem>>, vector<1x16xf32>,
      }
      %scan3A_80 = arith.constant 128 : i32
      %add3A_81 = arith.addi %while3A_54, %sub3A_4 : i32
      %dma_start3A_82 = arith.constant 0 : i32
      %dma_start3A_83 = tpu.memref_slice %arg9[%mul3A_57, %dma_start3A_82] : memref<256x64xf32, #tpu.memory_space<vmem>> -> memref<128x64xf32, #tpu.memory_space<vmem>>
      %dma_start3A_84 = arith.constant 0 : i32
      %dma_start3A_85 = tpu.memref_slice %arg7[%add3A_81, %dma_start3A_84] : memref<79x128xi32, #tpu.memory_space<vmem>> -> memref<1x128xi32, #tpu.memory_space<vmem>>
      %dma_start3A_86 = tpu.memref_squeeze %dma_start3A_85 : memref<1x128xi32, #tpu.memory_space<vmem>> -> memref<128xi32, #tpu.memory_space<vmem>>
      %dma_start3A_87 = arith.constant 0 : i32
      %dma_start3A_88 = arith.constant 0 : i32
      %dma_start3A_89 = tpu.memref_slice %arg10[%dma_start3A_87, %dma_start3A_88] : memref<10240x64xf32, #tpu.memory_space<vmem_shared>> -> memref<10240x64xf32, #tpu.memory_space<vmem_shared>>
      tpu.enqueue_indirect_dma source(%dma_start3A_83 : memref<128x64xf32, #tpu.memory_space<vmem>>) target(%dma_start3A_89 : memref<10240x64xf32, #tpu.memory_space<vmem_shared>>) offsets(%dma_start3A_86 : memref<128xi32, #tpu.memory_space<vmem>>) semaphore(%arg12 : memref<!tpu.dma_semaphore, #tpu.memory_space<semaphore_mem>>) {add = true}
    }
    %while3A_29 = arith.constant 1 : i32
    scf.for %while3A_54 = %while3A_27 to %while3A_23 step %while3A_29  : i32 {
      %rem3A = arith.constant 2 : i32
      %rem3A_55 = arith.remsi %while3A_54, %rem3A : i32
      %mul3A_56 = arith.constant 128 : i32
      %mul3A_57 = arith.muli %rem3A_55, %mul3A_56 : i32
      %add3A_58 = arith.addi %while3A_54, %sub3A_4 : i32
      %dma_wait3A_59 = arith.constant 0 : i32
      %dma_wait3A_60 = tpu.memref_slice %arg8[%mul3A_57, %dma_wait3A_59] : memref<256x32xi32, #tpu.memory_space<vmem>> -> memref<128x32xi32, #tpu.memory_space<vmem>>
      %dma_wait3A_61 = arith.constant 0 : i32
      %dma_wait3A_62 = tpu.memref_slice %arg6[%add3A_58, %dma_wait3A_61] : memref<79x128xi32, #tpu.memory_space<vmem>> -> memref<1x128xi32, #tpu.memory_space<vmem>>
      %dma_wait3A_63 = tpu.memref_squeeze %dma_wait3A_62 : memref<1x128xi32, #tpu.memory_space<vmem>> -> memref<128xi32, #tpu.memory_space<vmem>>
      %dma_wait3A_64 = arith.constant 0 : i32
      %dma_wait3A_65 = arith.constant 0 : i32
      %dma_wait3A_66 = tpu.memref_slice %arg2[%dma_wait3A_64, %dma_wait3A_65] : memref<10000x32xi32, #tpu.memory_space<hbm>> -> memref<10000x32xi32, #tpu.memory_space<hbm>>
      tpu.wait_indirect_dma semaphore(%arg11 : memref<!tpu.dma_semaphore, #tpu.memory_space<semaphore_mem>>) src(%dma_wait3A_66 : memref<10000x32xi32, #tpu.memory_space<hbm>>) dst(%dma_wait3A_60 : memref<128x32xi32, #tpu.memory_space<vmem>>)
      %ge3A = arith.constant 2 : i32
      %ge3A_67 = arith.cmpi sge, %while3A_54, %ge3A : i32
      %convert_element_type3A_68 = arith.extui %ge3A_67 : i1 to i32
      %cond3A = arith.constant 0 : i32
      %cond3A_69 = arith.cmpi ne, %convert_element_type3A_68, %cond3A : i32
      scf.if %cond3A_69 {
        %add3A_90 = arith.addi %while3A_54, %sub3A_4 : i32
        %dma_wait3A_91 = arith.constant 0 : i32
        %dma_wait3A_92 = tpu.memref_slice %arg9[%mul3A_57, %dma_wait3A_91] : memref<256x64xf32, #tpu.memory_space<vmem>> -> memref<128x64xf32, #tpu.memory_space<vmem>>
        %dma_wait3A_93 = arith.constant 0 : i32
        %dma_wait3A_94 = tpu.memref_slice %arg7[%add3A_90, %dma_wait3A_93] : memref<79x128xi32, #tpu.memory_space<vmem>> -> memref<1x128xi32, #tpu.memory_space<vmem>>
        %dma_wait3A_95 = tpu.memref_squeeze %dma_wait3A_94 : memref<1x128xi32, #tpu.memory_space<vmem>> -> memref<128xi32, #tpu.memory_space<vmem>>
        %dma_wait3A_96 = arith.constant 0 : i32
        %dma_wait3A_97 = arith.constant 0 : i32
        %dma_wait3A_98 = tpu.memref_slice %arg10[%dma_wait3A_96, %dma_wait3A_97] : memref<10240x64xf32, #tpu.memory_space<vmem_shared>> -> memref<10240x64xf32, #tpu.memory_space<vmem_shared>>
        tpu.wait_indirect_dma semaphore(%arg12 : memref<!tpu.dma_semaphore, #tpu.memory_space<semaphore_mem>>) src(%dma_wait3A_92 : memref<128x64xf32, #tpu.memory_space<vmem>>) dst(%dma_wait3A_98 : memref<10240x64xf32, #tpu.memory_space<vmem_shared>>)
      } else {
      }
      %add3A_70 = arith.constant 1 : i32
      %add3A_71 = arith.addi %while3A_54, %add3A_70 : i32
      %lt3A_72 = arith.cmpi slt, %add3A_71, %add3A_3 : i32
      %convert_element_type3A_73 = arith.extui %lt3A_72 : i1 to i32
      %cond3A_74 = arith.constant 0 : i32
      %cond3A_75 = arith.cmpi ne, %convert_element_type3A_73, %cond3A_74 : i32
      scf.if %cond3A_75 {
        %add3A_90 = arith.constant 1 : i32
        %add3A_91 = arith.addi %while3A_54, %add3A_90 : i32
        %add3A_92 = arith.addi %add3A_91, %sub3A_4 : i32
        %sub3A_93 = arith.constant 128 : i32
        %sub3A_94 = arith.subi %sub3A_93, %mul3A_57 : i32
        %dma_start3A_95 = arith.constant 0 : i32
        %dma_start3A_96 = tpu.memref_slice %arg8[%sub3A_94, %dma_start3A_95] : memref<256x32xi32, #tpu.memory_space<vmem>> -> memref<128x32xi32, #tpu.memory_space<vmem>>
        %dma_start3A_97 = arith.constant 0 : i32
        %dma_start3A_98 = tpu.memref_slice %arg6[%add3A_92, %dma_start3A_97] : memref<79x128xi32, #tpu.memory_space<vmem>> -> memref<1x128xi32, #tpu.memory_space<vmem>>
        %dma_start3A_99 = tpu.memref_squeeze %dma_start3A_98 : memref<1x128xi32, #tpu.memory_space<vmem>> -> memref<128xi32, #tpu.memory_space<vmem>>
        %dma_start3A_100 = arith.constant 0 : i32
        %dma_start3A_101 = arith.constant 0 : i32
        %dma_start3A_102 = tpu.memref_slice %arg2[%dma_start3A_100, %dma_start3A_101] : memref<10000x32xi32, #tpu.memory_space<hbm>> -> memref<10000x32xi32, #tpu.memory_space<hbm>>
        tpu.enqueue_indirect_dma source(%dma_start3A_102 : memref<10000x32xi32, #tpu.memory_space<hbm>>) target(%dma_start3A_96 : memref<128x32xi32, #tpu.memory_space<vmem>>) offsets(%dma_start3A_99 : memref<128xi32, #tpu.memory_space<vmem>>) semaphore(%arg11 : memref<!tpu.dma_semaphore, #tpu.memory_space<semaphore_mem>>)
      } else {
      }
      %scan3A = arith.constant 0 : i32
      %scan3A_76 = arith.constant 0 : i32
      %scan3A_77 = arith.constant 128 : i32
      %scan3A_78 = arith.addi %scan3A_76, %scan3A_77 : i32
      %scan3A_79 = arith.constant 1 : i32
      scf.for %scan3A_90 = %scan3A_76 to %scan3A_78 step %scan3A_79  : i32 {
        %add3A_91 = arith.addi %mul3A_57, %scan3A_90 : i32
        %get3A = arith.index_cast %add3A_91 : i32 to index
        %get3A_92 = arith.constant 0 : index
        %get3A_93 = tpu.vector_load %arg8[%get3A, %get3A_92] {strides = array<i32>} : memref<256x32xi32, #tpu.memory_space<vmem>>, vector<1x16xi32>,
        %get3A_94 = vector.shape_cast %get3A_93 : vector<1x16xi32> to vector<16xi32>
        %shift_left3A = arith.constant 16 : i32
        %shift_left3A_95 = vector.broadcast %shift_left3A : i32 to vector<16xi32>
        %shift_left3A_96 = arith.shli %get3A_94, %shift_left3A_95 : vector<16xi32>
        %bitcast_convert_type3A = tpu.bitcast %shift_left3A_96 : vector<16xi32> -> vector<16xf32>
        %swap3A = arith.index_cast %add3A_91 : i32 to index
        %swap3A_97 = arith.constant 0 : index
        %swap3A_98 = tpu.vector_load %arg9[%swap3A, %swap3A_97] {strides = array<i32>} : memref<256x64xf32, #tpu.memory_space<vmem>>, vector<1x16xf32>,
        %swap3A_99 = vector.shape_cast %swap3A_98 : vector<1x16xf32> to vector<16xf32>
        %swap3A_100 = vector.shape_cast %bitcast_convert_type3A : vector<16xf32> to vector<1x16xf32>
        tpu.vector_store %arg9[%swap3A, %swap3A_97], %swap3A_100 {strides = array<i32>} : memref<256x64xf32, #tpu.memory_space<vmem>>, vector<1x16xf32>,
        %and3A = arith.constant -65536 : i32
        %and3A_101 = vector.broadcast %and3A : i32 to vector<16xi32>
        %and3A_102 = arith.andi %get3A_94, %and3A_101 : vector<16xi32>
        %bitcast_convert_type3A_103 = tpu.bitcast %and3A_102 : vector<16xi32> -> vector<16xf32>
        %swap3A_104 = arith.index_cast %add3A_91 : i32 to index
        %swap3A_105 = arith.constant 16 : index
        %swap3A_106 = tpu.vector_load %arg9[%swap3A_104, %swap3A_105] {strides = array<i32>} : memref<256x64xf32, #tpu.memory_space<vmem>>, vector<1x16xf32>,
        %swap3A_107 = vector.shape_cast %swap3A_106 : vector<1x16xf32> to vector<16xf32>
        %swap3A_108 = vector.shape_cast %bitcast_convert_type3A_103 : vector<16xf32> to vector<1x16xf32>
        tpu.vector_store %arg9[%swap3A_104, %swap3A_105], %swap3A_108 {strides = array<i32>} : memref<256x64xf32, #tpu.memory_space<vmem>>, vector<1x16xf32>,
        %get3A_109 = arith.index_cast %add3A_91 : i32 to index
        %get3A_110 = arith.constant 16 : index
        %get3A_111 = tpu.vector_load %arg8[%get3A_109, %get3A_110] {strides = array<i32>} : memref<256x32xi32, #tpu.memory_space<vmem>>, vector<1x16xi32>,
        %get3A_112 = vector.shape_cast %get3A_111 : vector<1x16xi32> to vector<16xi32>
        %shift_left3A_113 = arith.constant 16 : i32
        %shift_left3A_114 = vector.broadcast %shift_left3A_113 : i32 to vector<16xi32>
        %shift_left3A_115 = arith.shli %get3A_112, %shift_left3A_114 : vector<16xi32>
        %bitcast_convert_type3A_116 = tpu.bitcast %shift_left3A_115 : vector<16xi32> -> vector<16xf32>
        %swap3A_117 = arith.index_cast %add3A_91 : i32 to index
        %swap3A_118 = arith.constant 32 : index
        %swap3A_119 = tpu.vector_load %arg9[%swap3A_117, %swap3A_118] {strides = array<i32>} : memref<256x64xf32, #tpu.memory_space<vmem>>, vector<1x16xf32>,
        %swap3A_120 = vector.shape_cast %swap3A_119 : vector<1x16xf32> to vector<16xf32>
        %swap3A_121 = vector.shape_cast %bitcast_convert_type3A_116 : vector<16xf32> to vector<1x16xf32>
        tpu.vector_store %arg9[%swap3A_117, %swap3A_118], %swap3A_121 {strides = array<i32>} : memref<256x64xf32, #tpu.memory_space<vmem>>, vector<1x16xf32>,
        %and3A_122 = arith.constant -65536 : i32
        %and3A_123 = vector.broadcast %and3A_122 : i32 to vector<16xi32>
        %and3A_124 = arith.andi %get3A_112, %and3A_123 : vector<16xi32>
        %bitcast_convert_type3A_125 = tpu.bitcast %and3A_124 : vector<16xi32> -> vector<16xf32>
        %swap3A_126 = arith.index_cast %add3A_91 : i32 to index
        %swap3A_127 = arith.constant 48 : index
        %swap3A_128 = tpu.vector_load %arg9[%swap3A_126, %swap3A_127] {strides = array<i32>} : memref<256x64xf32, #tpu.memory_space<vmem>>, vector<1x16xf32>,
        %swap3A_129 = vector.shape_cast %swap3A_128 : vector<1x16xf32> to vector<16xf32>
        %swap3A_130 = vector.shape_cast %bitcast_convert_type3A_125 : vector<16xf32> to vector<1x16xf32>
        tpu.vector_store %arg9[%swap3A_126, %swap3A_127], %swap3A_130 {strides = array<i32>} : memref<256x64xf32, #tpu.memory_space<vmem>>, vector<1x16xf32>,
      }
      %scan3A_80 = arith.constant 128 : i32
      %add3A_81 = arith.addi %while3A_54, %sub3A_4 : i32
      %dma_start3A_82 = arith.constant 0 : i32
      %dma_start3A_83 = tpu.memref_slice %arg9[%mul3A_57, %dma_start3A_82] : memref<256x64xf32, #tpu.memory_space<vmem>> -> memref<128x64xf32, #tpu.memory_space<vmem>>
      %dma_start3A_84 = arith.constant 0 : i32
      %dma_start3A_85 = tpu.memref_slice %arg7[%add3A_81, %dma_start3A_84] : memref<79x128xi32, #tpu.memory_space<vmem>> -> memref<1x128xi32, #tpu.memory_space<vmem>>
      %dma_start3A_86 = tpu.memref_squeeze %dma_start3A_85 : memref<1x128xi32, #tpu.memory_space<vmem>> -> memref<128xi32, #tpu.memory_space<vmem>>
      %dma_start3A_87 = arith.constant 0 : i32
      %dma_start3A_88 = arith.constant 0 : i32
      %dma_start3A_89 = tpu.memref_slice %arg10[%dma_start3A_87, %dma_start3A_88] : memref<10240x64xf32, #tpu.memory_space<vmem_shared>> -> memref<10240x64xf32, #tpu.memory_space<vmem_shared>>
      tpu.enqueue_indirect_dma source(%dma_start3A_83 : memref<128x64xf32, #tpu.memory_space<vmem>>) target(%dma_start3A_89 : memref<10240x64xf32, #tpu.memory_space<vmem_shared>>) offsets(%dma_start3A_86 : memref<128xi32, #tpu.memory_space<vmem>>) semaphore(%arg12 : memref<!tpu.dma_semaphore, #tpu.memory_space<semaphore_mem>>) {add = true}
    }
    %dma_wait3A = arith.constant 0 : i32
    %dma_wait3A_30 = arith.constant 0 : i32
    %dma_wait3A_31 = arith.constant 0 : i32
    %dma_wait3A_32 = tpu.memref_slice %arg9[%dma_wait3A_30, %dma_wait3A_31] : memref<256x64xf32, #tpu.memory_space<vmem>> -> memref<128x64xf32, #tpu.memory_space<vmem>>
    %dma_wait3A_33 = arith.constant 0 : i32
    %dma_wait3A_34 = tpu.memref_slice %arg7[%dma_wait3A, %dma_wait3A_33] : memref<79x128xi32, #tpu.memory_space<vmem>> -> memref<1x128xi32, #tpu.memory_space<vmem>>
    %dma_wait3A_35 = tpu.memref_squeeze %dma_wait3A_34 : memref<1x128xi32, #tpu.memory_space<vmem>> -> memref<128xi32, #tpu.memory_space<vmem>>
    %dma_wait3A_36 = arith.constant 0 : i32
    %dma_wait3A_37 = arith.constant 0 : i32
    %dma_wait3A_38 = tpu.memref_slice %arg10[%dma_wait3A_36, %dma_wait3A_37] : memref<10240x64xf32, #tpu.memory_space<vmem_shared>> -> memref<10240x64xf32, #tpu.memory_space<vmem_shared>>
    tpu.wait_indirect_dma semaphore(%arg12 : memref<!tpu.dma_semaphore, #tpu.memory_space<semaphore_mem>>) src(%dma_wait3A_32 : memref<128x64xf32, #tpu.memory_space<vmem>>) dst(%dma_wait3A_38 : memref<10240x64xf32, #tpu.memory_space<vmem_shared>>)
    %dma_wait3A_39 = arith.constant 0 : i32
    %dma_wait3A_40 = arith.constant 0 : i32
    %dma_wait3A_41 = arith.constant 0 : i32
    %dma_wait3A_42 = tpu.memref_slice %arg9[%dma_wait3A_40, %dma_wait3A_41] : memref<256x64xf32, #tpu.memory_space<vmem>> -> memref<128x64xf32, #tpu.memory_space<vmem>>
    %dma_wait3A_43 = arith.constant 0 : i32
    %dma_wait3A_44 = tpu.memref_slice %arg7[%dma_wait3A_39, %dma_wait3A_43] : memref<79x128xi32, #tpu.memory_space<vmem>> -> memref<1x128xi32, #tpu.memory_space<vmem>>
    %dma_wait3A_45 = tpu.memref_squeeze %dma_wait3A_44 : memref<1x128xi32, #tpu.memory_space<vmem>> -> memref<128xi32, #tpu.memory_space<vmem>>
    %dma_wait3A_46 = arith.constant 0 : i32
    %dma_wait3A_47 = arith.constant 0 : i32
    %dma_wait3A_48 = tpu.memref_slice %arg10[%dma_wait3A_46, %dma_wait3A_47] : memref<10240x64xf32, #tpu.memory_space<vmem_shared>> -> memref<10240x64xf32, #tpu.memory_space<vmem_shared>>
    tpu.wait_indirect_dma semaphore(%arg12 : memref<!tpu.dma_semaphore, #tpu.memory_space<semaphore_mem>>) src(%dma_wait3A_42 : memref<128x64xf32, #tpu.memory_space<vmem>>) dst(%dma_wait3A_48 : memref<10240x64xf32, #tpu.memory_space<vmem_shared>>)
    %barrier3A_49 = arith.constant 0 : index
    tpu.barrier barrier_id(%barrier3A_49)
    %mul3A_50 = arith.constant 640 : i32
    %mul3A_51 = arith.muli %arg1, %mul3A_50 : i32
    %mul3A_52 = arith.constant 640 : i32
    %mul3A_53 = arith.muli %arg1, %mul3A_52 : i32
    "tpu.region"() ({
      %run_scoped3A_54 = tpu.sem_alloc : memref<!tpu.dma_semaphore, #tpu.memory_space<semaphore_mem>>
      %dma_start3A_55 = arith.constant 0 : i32
      %dma_start3A_56 = tpu.memref_slice %arg5[%arg0, %mul3A_53, %dma_start3A_55] : memref<2x10240x64xf32, #tpu.memory_space<hbm>> -> memref<1x640x64xf32, #tpu.memory_space<hbm>>
      %dma_start3A_57 = tpu.memref_squeeze %dma_start3A_56 : memref<1x640x64xf32, #tpu.memory_space<hbm>> -> memref<640x64xf32, #tpu.memory_space<hbm>>
      %dma_start3A_58 = arith.constant 0 : i32
      %dma_start3A_59 = tpu.memref_slice %arg10[%mul3A_51, %dma_start3A_58] : memref<10240x64xf32, #tpu.memory_space<vmem_shared>> -> memref<640x64xf32, #tpu.memory_space<vmem_shared>>
      tpu.enqueue_dma source(%dma_start3A_59 : memref<640x64xf32, #tpu.memory_space<vmem_shared>>) target(%dma_start3A_57 : memref<640x64xf32, #tpu.memory_space<hbm>>) target_semaphore(%run_scoped3A_54 : memref<!tpu.dma_semaphore, #tpu.memory_space<semaphore_mem>>)
      %dma_wait3A_60 = arith.constant 0 : i32
      %dma_wait3A_61 = tpu.memref_slice %arg5[%arg0, %mul3A_53, %dma_wait3A_60] : memref<2x10240x64xf32, #tpu.memory_space<hbm>> -> memref<1x640x64xf32, #tpu.memory_space<hbm>>
      %dma_wait3A_62 = tpu.memref_squeeze %dma_wait3A_61 : memref<1x640x64xf32, #tpu.memory_space<hbm>> -> memref<640x64xf32, #tpu.memory_space<hbm>>
      %dma_wait3A_63 = arith.constant 0 : i32
      %dma_wait3A_64 = tpu.memref_slice %arg10[%mul3A_51, %dma_wait3A_63] : memref<10240x64xf32, #tpu.memory_space<vmem_shared>> -> memref<640x64xf32, #tpu.memory_space<vmem_shared>>
      tpu.wait_dma2 semaphore(%run_scoped3A_54 : memref<!tpu.dma_semaphore, #tpu.memory_space<semaphore_mem>>) src(%dma_wait3A_64 : memref<640x64xf32, #tpu.memory_space<vmem_shared>>) dst(%dma_wait3A_62 : memref<640x64xf32, #tpu.memory_space<hbm>>)
      tpu.yield
    }) : () -> ()
    return
  }
}

#map = affine_map<(d0, d1) -> (0, 0, 0)>
#map1 = affine_map<(d0, d1) -> (0, 0)>
module attributes {stable_mosaic.version = 14 : i64} {
  func.func @_counts_body(%arg0: i32, %arg1: i32, %arg2: memref<2x2500x128xi32, #tpu.memory_space<hbm>>, %arg3: memref<640x16xf32, #tpu.memory_space<hbm>>, %arg4: memref<128x16xf32, #tpu.memory_space<hbm>>, %arg5: memref<2x10240x16xf32, #tpu.memory_space<hbm>>, %arg6: memref<79x128xi32, #tpu.memory_space<vmem>>, %arg7: memref<128x16xf32, #tpu.memory_space<vmem>>, %arg8: memref<10240x16xf32, #tpu.memory_space<vmem_shared>>) attributes {dimension_semantics = [#tpu.dimension_semantics<core_parallel>, #tpu.dimension_semantics<subcore_parallel>], iteration_bounds = array<i64: 2, 16>, scalar_prefetch = 0 : i64, scratch_operands = 3 : i64, tpu.core_type = #tpu.core_type<sc_vector_subcore>, window_params = [{transform_indices = #map}, {transform_indices = #map1}, {transform_indices = #map1}, {transform_indices = #map}]} {
    %mul3A = arith.constant 2 : i32
    %mul3A_0 = arith.muli %arg1, %mul3A : i32
    %add3A = arith.addi %mul3A_0, %arg0 : i32
    %lt3A = arith.constant 4 : i32
    %lt3A_1 = arith.cmpi slt, %add3A, %lt3A : i32
    %convert_element_type3A = arith.extui %lt3A_1 : i1 to i32
    %add3A_2 = arith.constant 78 : i32
    %add3A_3 = arith.addi %add3A_2, %convert_element_type3A : i32
    %sub3A = arith.constant 79 : i32
    %sub3A_4 = arith.subi %sub3A, %add3A_3 : i32
    %mul3A_5 = arith.constant 78 : i32
    %mul3A_6 = arith.muli %mul3A_5, %add3A : i32
    %min3A = arith.constant 4 : i32
    %min3A_7 = arith.minsi %add3A, %min3A : i32
    %add3A_8 = arith.addi %mul3A_6, %min3A_7 : i32
    %sub3A_9 = arith.subi %add3A_8, %sub3A_4 : i32
    %mul3A_10 = arith.constant 640 : i32
    %mul3A_11 = arith.muli %arg1, %mul3A_10 : i32
    "tpu.region"() ({
      %run_scoped3A_26 = tpu.sem_alloc : memref<!tpu.dma_semaphore, #tpu.memory_space<semaphore_mem>>
      %dma_start3A = arith.constant 0 : i32
      %dma_start3A_27 = tpu.memref_slice %arg8[%mul3A_11, %dma_start3A] : memref<10240x16xf32, #tpu.memory_space<vmem_shared>> -> memref<640x16xf32, #tpu.memory_space<vmem_shared>>
      tpu.enqueue_dma source(%arg3 : memref<640x16xf32, #tpu.memory_space<hbm>>) target(%dma_start3A_27 : memref<640x16xf32, #tpu.memory_space<vmem_shared>>) target_semaphore(%run_scoped3A_26 : memref<!tpu.dma_semaphore, #tpu.memory_space<semaphore_mem>>)
      %dma_wait3A = arith.constant 0 : i32
      %dma_wait3A_28 = tpu.memref_slice %arg8[%mul3A_11, %dma_wait3A] : memref<10240x16xf32, #tpu.memory_space<vmem_shared>> -> memref<640x16xf32, #tpu.memory_space<vmem_shared>>
      tpu.wait_dma2 semaphore(%run_scoped3A_26 : memref<!tpu.dma_semaphore, #tpu.memory_space<semaphore_mem>>) src(%arg3 : memref<640x16xf32, #tpu.memory_space<hbm>>) dst(%dma_wait3A_28 : memref<640x16xf32, #tpu.memory_space<vmem_shared>>)
      tpu.yield
    }) : () -> ()
    "tpu.region"() ({
      %run_scoped3A_26 = tpu.sem_alloc : memref<!tpu.dma_semaphore, #tpu.memory_space<semaphore_mem>>
      tpu.enqueue_dma source(%arg4 : memref<128x16xf32, #tpu.memory_space<hbm>>) target(%arg7 : memref<128x16xf32, #tpu.memory_space<vmem>>) target_semaphore(%run_scoped3A_26 : memref<!tpu.dma_semaphore, #tpu.memory_space<semaphore_mem>>)
      tpu.wait_dma2 semaphore(%run_scoped3A_26 : memref<!tpu.dma_semaphore, #tpu.memory_space<semaphore_mem>>) src(%arg4 : memref<128x16xf32, #tpu.memory_space<hbm>>) dst(%arg7 : memref<128x16xf32, #tpu.memory_space<vmem>>)
      tpu.yield
    }) : () -> ()
    %run_scoped3A = arith.constant 1 : i32
    "tpu.region"() ({
      %run_scoped3A_26 = tpu.sem_alloc : memref<!tpu.dma_semaphore, #tpu.memory_space<semaphore_mem>>
      %dma_start3A = arith.constant 0 : i32
      %dma_start3A_27 = tpu.memref_slice %arg2[%run_scoped3A, %sub3A_9, %dma_start3A] : memref<2x2500x128xi32, #tpu.memory_space<hbm>> -> memref<1x79x128xi32, #tpu.memory_space<hbm>>
      %dma_start3A_28 = tpu.memref_squeeze %dma_start3A_27 : memref<1x79x128xi32, #tpu.memory_space<hbm>> -> memref<79x128xi32, #tpu.memory_space<hbm>>
      %dma_start3A_29 = arith.constant 0 : i32
      %dma_start3A_30 = tpu.memref_slice %arg2[%run_scoped3A, %sub3A_9, %dma_start3A_29] : memref<2x2500x128xi32, #tpu.memory_space<hbm>> -> memref<1x79x128xi32, #tpu.memory_space<hbm>>
      %dma_start3A_31 = tpu.memref_squeeze %dma_start3A_30 : memref<1x79x128xi32, #tpu.memory_space<hbm>> -> memref<79x128xi32, #tpu.memory_space<hbm>>
      tpu.enqueue_dma source(%dma_start3A_31 : memref<79x128xi32, #tpu.memory_space<hbm>>) target(%arg6 : memref<79x128xi32, #tpu.memory_space<vmem>>) target_semaphore(%run_scoped3A_26 : memref<!tpu.dma_semaphore, #tpu.memory_space<semaphore_mem>>)
      %dma_wait3A = arith.constant 0 : i32
      %dma_wait3A_32 = tpu.memref_slice %arg2[%run_scoped3A, %sub3A_9, %dma_wait3A] : memref<2x2500x128xi32, #tpu.memory_space<hbm>> -> memref<1x79x128xi32, #tpu.memory_space<hbm>>
      %dma_wait3A_33 = tpu.memref_squeeze %dma_wait3A_32 : memref<1x79x128xi32, #tpu.memory_space<hbm>> -> memref<79x128xi32, #tpu.memory_space<hbm>>
      %dma_wait3A_34 = arith.constant 0 : i32
      %dma_wait3A_35 = tpu.memref_slice %arg2[%run_scoped3A, %sub3A_9, %dma_wait3A_34] : memref<2x2500x128xi32, #tpu.memory_space<hbm>> -> memref<1x79x128xi32, #tpu.memory_space<hbm>>
      %dma_wait3A_36 = tpu.memref_squeeze %dma_wait3A_35 : memref<1x79x128xi32, #tpu.memory_space<hbm>> -> memref<79x128xi32, #tpu.memory_space<hbm>>
      tpu.wait_dma2 semaphore(%run_scoped3A_26 : memref<!tpu.dma_semaphore, #tpu.memory_space<semaphore_mem>>) src(%dma_wait3A_36 : memref<79x128xi32, #tpu.memory_space<hbm>>) dst(%arg6 : memref<79x128xi32, #tpu.memory_space<vmem>>)
      tpu.yield
    }) : () -> ()
    %barrier3A = arith.constant 0 : index
    tpu.barrier barrier_id(%barrier3A)
    %while3A = arith.constant 0 : i32
    %while3A_12 = arith.constant 0 : i32
    %while3A_13 = arith.subi %add3A_3, %while3A_12 : i32
    %while3A_14 = arith.addi %while3A_12, %while3A_13 : i32
    %while3A_15 = arith.constant 1 : i32
    %while3A_16 = arith.divsi %while3A_13, %while3A_15 : i32
    %while3A_17 = arith.muli %while3A_16, %while3A_15 : i32
    %while3A_18 = arith.addi %while3A_12, %while3A_17 : i32
    %while3A_19 = arith.constant 1 : i32
    scf.for %while3A_26 = %while3A_12 to %while3A_18 step %while3A_19  : i32 {
      %add3A_27 = arith.addi %while3A_26, %sub3A_4 : i32
      "tpu.region"() ({
        %run_scoped3A_28 = tpu.sem_alloc : memref<!tpu.dma_semaphore, #tpu.memory_space<semaphore_mem>>
        %dma_start3A = arith.constant 0 : i32
        %dma_start3A_29 = tpu.memref_slice %arg6[%add3A_27, %dma_start3A] : memref<79x128xi32, #tpu.memory_space<vmem>> -> memref<1x128xi32, #tpu.memory_space<vmem>>
        %dma_start3A_30 = tpu.memref_squeeze %dma_start3A_29 : memref<1x128xi32, #tpu.memory_space<vmem>> -> memref<128xi32, #tpu.memory_space<vmem>>
        %dma_start3A_31 = arith.constant 0 : i32
        %dma_start3A_32 = arith.constant 0 : i32
        %dma_start3A_33 = tpu.memref_slice %arg8[%dma_start3A_31, %dma_start3A_32] : memref<10240x16xf32, #tpu.memory_space<vmem_shared>> -> memref<10240x16xf32, #tpu.memory_space<vmem_shared>>
        tpu.enqueue_indirect_dma source(%arg7 : memref<128x16xf32, #tpu.memory_space<vmem>>) target(%dma_start3A_33 : memref<10240x16xf32, #tpu.memory_space<vmem_shared>>) offsets(%dma_start3A_30 : memref<128xi32, #tpu.memory_space<vmem>>) semaphore(%run_scoped3A_28 : memref<!tpu.dma_semaphore, #tpu.memory_space<semaphore_mem>>) {add = true}
        %dma_wait3A = arith.constant 0 : i32
        %dma_wait3A_34 = tpu.memref_slice %arg6[%add3A_27, %dma_wait3A] : memref<79x128xi32, #tpu.memory_space<vmem>> -> memref<1x128xi32, #tpu.memory_space<vmem>>
        %dma_wait3A_35 = tpu.memref_squeeze %dma_wait3A_34 : memref<1x128xi32, #tpu.memory_space<vmem>> -> memref<128xi32, #tpu.memory_space<vmem>>
        %dma_wait3A_36 = arith.constant 0 : i32
        %dma_wait3A_37 = arith.constant 0 : i32
        %dma_wait3A_38 = tpu.memref_slice %arg8[%dma_wait3A_36, %dma_wait3A_37] : memref<10240x16xf32, #tpu.memory_space<vmem_shared>> -> memref<10240x16xf32, #tpu.memory_space<vmem_shared>>
        tpu.wait_indirect_dma semaphore(%run_scoped3A_28 : memref<!tpu.dma_semaphore, #tpu.memory_space<semaphore_mem>>) src(%arg7 : memref<128x16xf32, #tpu.memory_space<vmem>>) dst(%dma_wait3A_38 : memref<10240x16xf32, #tpu.memory_space<vmem_shared>>)
        tpu.yield
      }) : () -> ()
    }
    %while3A_20 = arith.constant 1 : i32
    scf.for %while3A_26 = %while3A_18 to %while3A_14 step %while3A_20  : i32 {
      %add3A_27 = arith.addi %while3A_26, %sub3A_4 : i32
      "tpu.region"() ({
        %run_scoped3A_28 = tpu.sem_alloc : memref<!tpu.dma_semaphore, #tpu.memory_space<semaphore_mem>>
        %dma_start3A = arith.constant 0 : i32
        %dma_start3A_29 = tpu.memref_slice %arg6[%add3A_27, %dma_start3A] : memref<79x128xi32, #tpu.memory_space<vmem>> -> memref<1x128xi32, #tpu.memory_space<vmem>>
        %dma_start3A_30 = tpu.memref_squeeze %dma_start3A_29 : memref<1x128xi32, #tpu.memory_space<vmem>> -> memref<128xi32, #tpu.memory_space<vmem>>
        %dma_start3A_31 = arith.constant 0 : i32
        %dma_start3A_32 = arith.constant 0 : i32
        %dma_start3A_33 = tpu.memref_slice %arg8[%dma_start3A_31, %dma_start3A_32] : memref<10240x16xf32, #tpu.memory_space<vmem_shared>> -> memref<10240x16xf32, #tpu.memory_space<vmem_shared>>
        tpu.enqueue_indirect_dma source(%arg7 : memref<128x16xf32, #tpu.memory_space<vmem>>) target(%dma_start3A_33 : memref<10240x16xf32, #tpu.memory_space<vmem_shared>>) offsets(%dma_start3A_30 : memref<128xi32, #tpu.memory_space<vmem>>) semaphore(%run_scoped3A_28 : memref<!tpu.dma_semaphore, #tpu.memory_space<semaphore_mem>>) {add = true}
        %dma_wait3A = arith.constant 0 : i32
        %dma_wait3A_34 = tpu.memref_slice %arg6[%add3A_27, %dma_wait3A] : memref<79x128xi32, #tpu.memory_space<vmem>> -> memref<1x128xi32, #tpu.memory_space<vmem>>
        %dma_wait3A_35 = tpu.memref_squeeze %dma_wait3A_34 : memref<1x128xi32, #tpu.memory_space<vmem>> -> memref<128xi32, #tpu.memory_space<vmem>>
        %dma_wait3A_36 = arith.constant 0 : i32
        %dma_wait3A_37 = arith.constant 0 : i32
        %dma_wait3A_38 = tpu.memref_slice %arg8[%dma_wait3A_36, %dma_wait3A_37] : memref<10240x16xf32, #tpu.memory_space<vmem_shared>> -> memref<10240x16xf32, #tpu.memory_space<vmem_shared>>
        tpu.wait_indirect_dma semaphore(%run_scoped3A_28 : memref<!tpu.dma_semaphore, #tpu.memory_space<semaphore_mem>>) src(%arg7 : memref<128x16xf32, #tpu.memory_space<vmem>>) dst(%dma_wait3A_38 : memref<10240x16xf32, #tpu.memory_space<vmem_shared>>)
        tpu.yield
      }) : () -> ()
    }
    %barrier3A_21 = arith.constant 0 : index
    tpu.barrier barrier_id(%barrier3A_21)
    %mul3A_22 = arith.constant 640 : i32
    %mul3A_23 = arith.muli %arg1, %mul3A_22 : i32
    %mul3A_24 = arith.constant 640 : i32
    %mul3A_25 = arith.muli %arg1, %mul3A_24 : i32
    "tpu.region"() ({
      %run_scoped3A_26 = tpu.sem_alloc : memref<!tpu.dma_semaphore, #tpu.memory_space<semaphore_mem>>
      %dma_start3A = arith.constant 0 : i32
      %dma_start3A_27 = tpu.memref_slice %arg5[%arg0, %mul3A_25, %dma_start3A] : memref<2x10240x16xf32, #tpu.memory_space<hbm>> -> memref<1x640x16xf32, #tpu.memory_space<hbm>>
      %dma_start3A_28 = tpu.memref_squeeze %dma_start3A_27 : memref<1x640x16xf32, #tpu.memory_space<hbm>> -> memref<640x16xf32, #tpu.memory_space<hbm>>
      %dma_start3A_29 = arith.constant 0 : i32
      %dma_start3A_30 = tpu.memref_slice %arg8[%mul3A_23, %dma_start3A_29] : memref<10240x16xf32, #tpu.memory_space<vmem_shared>> -> memref<640x16xf32, #tpu.memory_space<vmem_shared>>
      tpu.enqueue_dma source(%dma_start3A_30 : memref<640x16xf32, #tpu.memory_space<vmem_shared>>) target(%dma_start3A_28 : memref<640x16xf32, #tpu.memory_space<hbm>>) target_semaphore(%run_scoped3A_26 : memref<!tpu.dma_semaphore, #tpu.memory_space<semaphore_mem>>)
      %dma_wait3A = arith.constant 0 : i32
      %dma_wait3A_31 = tpu.memref_slice %arg5[%arg0, %mul3A_25, %dma_wait3A] : memref<2x10240x16xf32, #tpu.memory_space<hbm>> -> memref<1x640x16xf32, #tpu.memory_space<hbm>>
      %dma_wait3A_32 = tpu.memref_squeeze %dma_wait3A_31 : memref<1x640x16xf32, #tpu.memory_space<hbm>> -> memref<640x16xf32, #tpu.memory_space<hbm>>
      %dma_wait3A_33 = arith.constant 0 : i32
      %dma_wait3A_34 = tpu.memref_slice %arg8[%mul3A_23, %dma_wait3A_33] : memref<10240x16xf32, #tpu.memory_space<vmem_shared>> -> memref<640x16xf32, #tpu.memory_space<vmem_shared>>
      tpu.wait_dma2 semaphore(%run_scoped3A_26 : memref<!tpu.dma_semaphore, #tpu.memory_space<semaphore_mem>>) src(%dma_wait3A_34 : memref<640x16xf32, #tpu.memory_space<vmem_shared>>) dst(%dma_wait3A_32 : memref<640x16xf32, #tpu.memory_space<hbm>>)
      tpu.yield
    }) : () -> ()
    return
  }
}

#map = affine_map<(d0, d1) -> (0, 0)>
#map1 = affine_map<(d0, d1) -> (0, 0, 0)>
module attributes {stable_mosaic.version = 14 : i64} {
  func.func @body(%arg0: i32, %arg1: i32, %arg2: memref<10000x16xi32, #tpu.memory_space<hbm>>, %arg3: memref<2x2500x128xi32, #tpu.memory_space<hbm>>, %arg4: memref<640x32xf32, #tpu.memory_space<hbm>>, %arg5: memref<2x10240x32xf32, #tpu.memory_space<hbm>>, %arg6: memref<79x128xi32, #tpu.memory_space<vmem>>, %arg7: memref<79x128xi32, #tpu.memory_space<vmem>>, %arg8: memref<256x16xi32, #tpu.memory_space<vmem>>, %arg9: memref<256x32xf32, #tpu.memory_space<vmem>>, %arg10: memref<10240x32xf32, #tpu.memory_space<vmem_shared>>, %arg11: memref<!tpu.dma_semaphore, #tpu.memory_space<semaphore_mem>>, %arg12: memref<!tpu.dma_semaphore, #tpu.memory_space<semaphore_mem>>) attributes {dimension_semantics = [#tpu.dimension_semantics<core_parallel>, #tpu.dimension_semantics<subcore_parallel>], iteration_bounds = array<i64: 2, 16>, scalar_prefetch = 0 : i64, scratch_operands = 7 : i64, tpu.core_type = #tpu.core_type<sc_vector_subcore>, window_params = [{transform_indices = #map}, {transform_indices = #map1}, {transform_indices = #map}, {transform_indices = #map1}]} {
    %mul3A = arith.constant 2 : i32
    %mul3A_0 = arith.muli %arg1, %mul3A : i32
    %add3A = arith.addi %mul3A_0, %arg0 : i32
    %lt3A = arith.constant 4 : i32
    %lt3A_1 = arith.cmpi slt, %add3A, %lt3A : i32
    %convert_element_type3A = arith.extui %lt3A_1 : i1 to i32
    %add3A_2 = arith.constant 78 : i32
    %add3A_3 = arith.addi %add3A_2, %convert_element_type3A : i32
    %sub3A = arith.constant 79 : i32
    %sub3A_4 = arith.subi %sub3A, %add3A_3 : i32
    %mul3A_5 = arith.constant 78 : i32
    %mul3A_6 = arith.muli %mul3A_5, %add3A : i32
    %min3A = arith.constant 4 : i32
    %min3A_7 = arith.minsi %add3A, %min3A : i32
    %add3A_8 = arith.addi %mul3A_6, %min3A_7 : i32
    %sub3A_9 = arith.subi %add3A_8, %sub3A_4 : i32
    %mul3A_10 = arith.constant 640 : i32
    %mul3A_11 = arith.muli %arg1, %mul3A_10 : i32
    "tpu.region"() ({
      %run_scoped3A_54 = tpu.sem_alloc : memref<!tpu.dma_semaphore, #tpu.memory_space<semaphore_mem>>
      %dma_start3A_55 = arith.constant 0 : i32
      %dma_start3A_56 = tpu.memref_slice %arg10[%mul3A_11, %dma_start3A_55] : memref<10240x32xf32, #tpu.memory_space<vmem_shared>> -> memref<640x32xf32, #tpu.memory_space<vmem_shared>>
      tpu.enqueue_dma source(%arg4 : memref<640x32xf32, #tpu.memory_space<hbm>>) target(%dma_start3A_56 : memref<640x32xf32, #tpu.memory_space<vmem_shared>>) target_semaphore(%run_scoped3A_54 : memref<!tpu.dma_semaphore, #tpu.memory_space<semaphore_mem>>)
      %dma_wait3A_57 = arith.constant 0 : i32
      %dma_wait3A_58 = tpu.memref_slice %arg10[%mul3A_11, %dma_wait3A_57] : memref<10240x32xf32, #tpu.memory_space<vmem_shared>> -> memref<640x32xf32, #tpu.memory_space<vmem_shared>>
      tpu.wait_dma2 semaphore(%run_scoped3A_54 : memref<!tpu.dma_semaphore, #tpu.memory_space<semaphore_mem>>) src(%arg4 : memref<640x32xf32, #tpu.memory_space<hbm>>) dst(%dma_wait3A_58 : memref<640x32xf32, #tpu.memory_space<vmem_shared>>)
      tpu.yield
    }) : () -> ()
    %run_scoped3A = arith.constant 0 : i32
    "tpu.region"() ({
      %run_scoped3A_54 = tpu.sem_alloc : memref<!tpu.dma_semaphore, #tpu.memory_space<semaphore_mem>>
      %dma_start3A_55 = arith.constant 0 : i32
      %dma_start3A_56 = tpu.memref_slice %arg3[%run_scoped3A, %sub3A_9, %dma_start3A_55] : memref<2x2500x128xi32, #tpu.memory_space<hbm>> -> memref<1x79x128xi32, #tpu.memory_space<hbm>>
      %dma_start3A_57 = tpu.memref_squeeze %dma_start3A_56 : memref<1x79x128xi32, #tpu.memory_space<hbm>> -> memref<79x128xi32, #tpu.memory_space<hbm>>
      %dma_start3A_58 = arith.constant 0 : i32
      %dma_start3A_59 = tpu.memref_slice %arg3[%run_scoped3A, %sub3A_9, %dma_start3A_58] : memref<2x2500x128xi32, #tpu.memory_space<hbm>> -> memref<1x79x128xi32, #tpu.memory_space<hbm>>
      %dma_start3A_60 = tpu.memref_squeeze %dma_start3A_59 : memref<1x79x128xi32, #tpu.memory_space<hbm>> -> memref<79x128xi32, #tpu.memory_space<hbm>>
      tpu.enqueue_dma source(%dma_start3A_60 : memref<79x128xi32, #tpu.memory_space<hbm>>) target(%arg6 : memref<79x128xi32, #tpu.memory_space<vmem>>) target_semaphore(%run_scoped3A_54 : memref<!tpu.dma_semaphore, #tpu.memory_space<semaphore_mem>>)
      %dma_wait3A_61 = arith.constant 0 : i32
      %dma_wait3A_62 = tpu.memref_slice %arg3[%run_scoped3A, %sub3A_9, %dma_wait3A_61] : memref<2x2500x128xi32, #tpu.memory_space<hbm>> -> memref<1x79x128xi32, #tpu.memory_space<hbm>>
      %dma_wait3A_63 = tpu.memref_squeeze %dma_wait3A_62 : memref<1x79x128xi32, #tpu.memory_space<hbm>> -> memref<79x128xi32, #tpu.memory_space<hbm>>
      %dma_wait3A_64 = arith.constant 0 : i32
      %dma_wait3A_65 = tpu.memref_slice %arg3[%run_scoped3A, %sub3A_9, %dma_wait3A_64] : memref<2x2500x128xi32, #tpu.memory_space<hbm>> -> memref<1x79x128xi32, #tpu.memory_space<hbm>>
      %dma_wait3A_66 = tpu.memref_squeeze %dma_wait3A_65 : memref<1x79x128xi32, #tpu.memory_space<hbm>> -> memref<79x128xi32, #tpu.memory_space<hbm>>
      tpu.wait_dma2 semaphore(%run_scoped3A_54 : memref<!tpu.dma_semaphore, #tpu.memory_space<semaphore_mem>>) src(%dma_wait3A_66 : memref<79x128xi32, #tpu.memory_space<hbm>>) dst(%arg6 : memref<79x128xi32, #tpu.memory_space<vmem>>)
      tpu.yield
    }) : () -> ()
    %run_scoped3A_12 = arith.constant 1 : i32
    "tpu.region"() ({
      %run_scoped3A_54 = tpu.sem_alloc : memref<!tpu.dma_semaphore, #tpu.memory_space<semaphore_mem>>
      %dma_start3A_55 = arith.constant 0 : i32
      %dma_start3A_56 = tpu.memref_slice %arg3[%run_scoped3A_12, %sub3A_9, %dma_start3A_55] : memref<2x2500x128xi32, #tpu.memory_space<hbm>> -> memref<1x79x128xi32, #tpu.memory_space<hbm>>
      %dma_start3A_57 = tpu.memref_squeeze %dma_start3A_56 : memref<1x79x128xi32, #tpu.memory_space<hbm>> -> memref<79x128xi32, #tpu.memory_space<hbm>>
      %dma_start3A_58 = arith.constant 0 : i32
      %dma_start3A_59 = tpu.memref_slice %arg3[%run_scoped3A_12, %sub3A_9, %dma_start3A_58] : memref<2x2500x128xi32, #tpu.memory_space<hbm>> -> memref<1x79x128xi32, #tpu.memory_space<hbm>>
      %dma_start3A_60 = tpu.memref_squeeze %dma_start3A_59 : memref<1x79x128xi32, #tpu.memory_space<hbm>> -> memref<79x128xi32, #tpu.memory_space<hbm>>
      tpu.enqueue_dma source(%dma_start3A_60 : memref<79x128xi32, #tpu.memory_space<hbm>>) target(%arg7 : memref<79x128xi32, #tpu.memory_space<vmem>>) target_semaphore(%run_scoped3A_54 : memref<!tpu.dma_semaphore, #tpu.memory_space<semaphore_mem>>)
      %dma_wait3A_61 = arith.constant 0 : i32
      %dma_wait3A_62 = tpu.memref_slice %arg3[%run_scoped3A_12, %sub3A_9, %dma_wait3A_61] : memref<2x2500x128xi32, #tpu.memory_space<hbm>> -> memref<1x79x128xi32, #tpu.memory_space<hbm>>
      %dma_wait3A_63 = tpu.memref_squeeze %dma_wait3A_62 : memref<1x79x128xi32, #tpu.memory_space<hbm>> -> memref<79x128xi32, #tpu.memory_space<hbm>>
      %dma_wait3A_64 = arith.constant 0 : i32
      %dma_wait3A_65 = tpu.memref_slice %arg3[%run_scoped3A_12, %sub3A_9, %dma_wait3A_64] : memref<2x2500x128xi32, #tpu.memory_space<hbm>> -> memref<1x79x128xi32, #tpu.memory_space<hbm>>
      %dma_wait3A_66 = tpu.memref_squeeze %dma_wait3A_65 : memref<1x79x128xi32, #tpu.memory_space<hbm>> -> memref<79x128xi32, #tpu.memory_space<hbm>>
      tpu.wait_dma2 semaphore(%run_scoped3A_54 : memref<!tpu.dma_semaphore, #tpu.memory_space<semaphore_mem>>) src(%dma_wait3A_66 : memref<79x128xi32, #tpu.memory_space<hbm>>) dst(%arg7 : memref<79x128xi32, #tpu.memory_space<vmem>>)
      tpu.yield
    }) : () -> ()
    %barrier3A = arith.constant 0 : index
    tpu.barrier barrier_id(%barrier3A)
    %dma_start3A = arith.constant 0 : i32
    %dma_start3A_13 = arith.constant 0 : i32
    %dma_start3A_14 = tpu.memref_slice %arg8[%dma_start3A, %dma_start3A_13] : memref<256x16xi32, #tpu.memory_space<vmem>> -> memref<128x16xi32, #tpu.memory_space<vmem>>
    %dma_start3A_15 = arith.constant 0 : i32
    %dma_start3A_16 = tpu.memref_slice %arg6[%sub3A_4, %dma_start3A_15] : memref<79x128xi32, #tpu.memory_space<vmem>> -> memref<1x128xi32, #tpu.memory_space<vmem>>
    %dma_start3A_17 = tpu.memref_squeeze %dma_start3A_16 : memref<1x128xi32, #tpu.memory_space<vmem>> -> memref<128xi32, #tpu.memory_space<vmem>>
    %dma_start3A_18 = arith.constant 0 : i32
    %dma_start3A_19 = arith.constant 0 : i32
    %dma_start3A_20 = tpu.memref_slice %arg2[%dma_start3A_18, %dma_start3A_19] : memref<10000x16xi32, #tpu.memory_space<hbm>> -> memref<10000x16xi32, #tpu.memory_space<hbm>>
    tpu.enqueue_indirect_dma source(%dma_start3A_20 : memref<10000x16xi32, #tpu.memory_space<hbm>>) target(%dma_start3A_14 : memref<128x16xi32, #tpu.memory_space<vmem>>) offsets(%dma_start3A_17 : memref<128xi32, #tpu.memory_space<vmem>>) semaphore(%arg11 : memref<!tpu.dma_semaphore, #tpu.memory_space<semaphore_mem>>)
    %while3A = arith.constant 0 : i32
    %while3A_21 = arith.constant 0 : i32
    %while3A_22 = arith.subi %add3A_3, %while3A_21 : i32
    %while3A_23 = arith.addi %while3A_21, %while3A_22 : i32
    %while3A_24 = arith.constant 1 : i32
    %while3A_25 = arith.divsi %while3A_22, %while3A_24 : i32
    %while3A_26 = arith.muli %while3A_25, %while3A_24 : i32
    %while3A_27 = arith.addi %while3A_21, %while3A_26 : i32
    %while3A_28 = arith.constant 1 : i32
    scf.for %while3A_54 = %while3A_21 to %while3A_27 step %while3A_28  : i32 {
      %rem3A = arith.constant 2 : i32
      %rem3A_55 = arith.remsi %while3A_54, %rem3A : i32
      %mul3A_56 = arith.constant 128 : i32
      %mul3A_57 = arith.muli %rem3A_55, %mul3A_56 : i32
      %add3A_58 = arith.addi %while3A_54, %sub3A_4 : i32
      %dma_wait3A_59 = arith.constant 0 : i32
      %dma_wait3A_60 = tpu.memref_slice %arg8[%mul3A_57, %dma_wait3A_59] : memref<256x16xi32, #tpu.memory_space<vmem>> -> memref<128x16xi32, #tpu.memory_space<vmem>>
      %dma_wait3A_61 = arith.constant 0 : i32
      %dma_wait3A_62 = tpu.memref_slice %arg6[%add3A_58, %dma_wait3A_61] : memref<79x128xi32, #tpu.memory_space<vmem>> -> memref<1x128xi32, #tpu.memory_space<vmem>>
      %dma_wait3A_63 = tpu.memref_squeeze %dma_wait3A_62 : memref<1x128xi32, #tpu.memory_space<vmem>> -> memref<128xi32, #tpu.memory_space<vmem>>
      %dma_wait3A_64 = arith.constant 0 : i32
      %dma_wait3A_65 = arith.constant 0 : i32
      %dma_wait3A_66 = tpu.memref_slice %arg2[%dma_wait3A_64, %dma_wait3A_65] : memref<10000x16xi32, #tpu.memory_space<hbm>> -> memref<10000x16xi32, #tpu.memory_space<hbm>>
      tpu.wait_indirect_dma semaphore(%arg11 : memref<!tpu.dma_semaphore, #tpu.memory_space<semaphore_mem>>) src(%dma_wait3A_66 : memref<10000x16xi32, #tpu.memory_space<hbm>>) dst(%dma_wait3A_60 : memref<128x16xi32, #tpu.memory_space<vmem>>)
      %ge3A = arith.constant 2 : i32
      %ge3A_67 = arith.cmpi sge, %while3A_54, %ge3A : i32
      %convert_element_type3A_68 = arith.extui %ge3A_67 : i1 to i32
      %cond3A = arith.constant 0 : i32
      %cond3A_69 = arith.cmpi ne, %convert_element_type3A_68, %cond3A : i32
      scf.if %cond3A_69 {
        %add3A_90 = arith.addi %while3A_54, %sub3A_4 : i32
        %dma_wait3A_91 = arith.constant 0 : i32
        %dma_wait3A_92 = tpu.memref_slice %arg9[%mul3A_57, %dma_wait3A_91] : memref<256x32xf32, #tpu.memory_space<vmem>> -> memref<128x32xf32, #tpu.memory_space<vmem>>
        %dma_wait3A_93 = arith.constant 0 : i32
        %dma_wait3A_94 = tpu.memref_slice %arg7[%add3A_90, %dma_wait3A_93] : memref<79x128xi32, #tpu.memory_space<vmem>> -> memref<1x128xi32, #tpu.memory_space<vmem>>
        %dma_wait3A_95 = tpu.memref_squeeze %dma_wait3A_94 : memref<1x128xi32, #tpu.memory_space<vmem>> -> memref<128xi32, #tpu.memory_space<vmem>>
        %dma_wait3A_96 = arith.constant 0 : i32
        %dma_wait3A_97 = arith.constant 0 : i32
        %dma_wait3A_98 = tpu.memref_slice %arg10[%dma_wait3A_96, %dma_wait3A_97] : memref<10240x32xf32, #tpu.memory_space<vmem_shared>> -> memref<10240x32xf32, #tpu.memory_space<vmem_shared>>
        tpu.wait_indirect_dma semaphore(%arg12 : memref<!tpu.dma_semaphore, #tpu.memory_space<semaphore_mem>>) src(%dma_wait3A_92 : memref<128x32xf32, #tpu.memory_space<vmem>>) dst(%dma_wait3A_98 : memref<10240x32xf32, #tpu.memory_space<vmem_shared>>)
      } else {
      }
      %add3A_70 = arith.constant 1 : i32
      %add3A_71 = arith.addi %while3A_54, %add3A_70 : i32
      %lt3A_72 = arith.cmpi slt, %add3A_71, %add3A_3 : i32
      %convert_element_type3A_73 = arith.extui %lt3A_72 : i1 to i32
      %cond3A_74 = arith.constant 0 : i32
      %cond3A_75 = arith.cmpi ne, %convert_element_type3A_73, %cond3A_74 : i32
      scf.if %cond3A_75 {
        %add3A_90 = arith.constant 1 : i32
        %add3A_91 = arith.addi %while3A_54, %add3A_90 : i32
        %add3A_92 = arith.addi %add3A_91, %sub3A_4 : i32
        %sub3A_93 = arith.constant 128 : i32
        %sub3A_94 = arith.subi %sub3A_93, %mul3A_57 : i32
        %dma_start3A_95 = arith.constant 0 : i32
        %dma_start3A_96 = tpu.memref_slice %arg8[%sub3A_94, %dma_start3A_95] : memref<256x16xi32, #tpu.memory_space<vmem>> -> memref<128x16xi32, #tpu.memory_space<vmem>>
        %dma_start3A_97 = arith.constant 0 : i32
        %dma_start3A_98 = tpu.memref_slice %arg6[%add3A_92, %dma_start3A_97] : memref<79x128xi32, #tpu.memory_space<vmem>> -> memref<1x128xi32, #tpu.memory_space<vmem>>
        %dma_start3A_99 = tpu.memref_squeeze %dma_start3A_98 : memref<1x128xi32, #tpu.memory_space<vmem>> -> memref<128xi32, #tpu.memory_space<vmem>>
        %dma_start3A_100 = arith.constant 0 : i32
        %dma_start3A_101 = arith.constant 0 : i32
        %dma_start3A_102 = tpu.memref_slice %arg2[%dma_start3A_100, %dma_start3A_101] : memref<10000x16xi32, #tpu.memory_space<hbm>> -> memref<10000x16xi32, #tpu.memory_space<hbm>>
        tpu.enqueue_indirect_dma source(%dma_start3A_102 : memref<10000x16xi32, #tpu.memory_space<hbm>>) target(%dma_start3A_96 : memref<128x16xi32, #tpu.memory_space<vmem>>) offsets(%dma_start3A_99 : memref<128xi32, #tpu.memory_space<vmem>>) semaphore(%arg11 : memref<!tpu.dma_semaphore, #tpu.memory_space<semaphore_mem>>)
      } else {
      }
      %scan3A = arith.constant 0 : i32
      %scan3A_76 = arith.constant 0 : i32
      %scan3A_77 = arith.constant 128 : i32
      %scan3A_78 = arith.addi %scan3A_76, %scan3A_77 : i32
      %scan3A_79 = arith.constant 1 : i32
      scf.for %scan3A_90 = %scan3A_76 to %scan3A_78 step %scan3A_79  : i32 {
        %add3A_91 = arith.addi %mul3A_57, %scan3A_90 : i32
        %get3A = arith.index_cast %add3A_91 : i32 to index
        %get3A_92 = arith.constant 0 : index
        %get3A_93 = tpu.vector_load %arg8[%get3A, %get3A_92] {strides = array<i32>} : memref<256x16xi32, #tpu.memory_space<vmem>>, vector<1x16xi32>,
        %get3A_94 = vector.shape_cast %get3A_93 : vector<1x16xi32> to vector<16xi32>
        %shift_left3A = arith.constant 16 : i32
        %shift_left3A_95 = vector.broadcast %shift_left3A : i32 to vector<16xi32>
        %shift_left3A_96 = arith.shli %get3A_94, %shift_left3A_95 : vector<16xi32>
        %bitcast_convert_type3A = tpu.bitcast %shift_left3A_96 : vector<16xi32> -> vector<16xf32>
        %swap3A = arith.index_cast %add3A_91 : i32 to index
        %swap3A_97 = arith.constant 0 : index
        %swap3A_98 = tpu.vector_load %arg9[%swap3A, %swap3A_97] {strides = array<i32>} : memref<256x32xf32, #tpu.memory_space<vmem>>, vector<1x16xf32>,
        %swap3A_99 = vector.shape_cast %swap3A_98 : vector<1x16xf32> to vector<16xf32>
        %swap3A_100 = vector.shape_cast %bitcast_convert_type3A : vector<16xf32> to vector<1x16xf32>
        tpu.vector_store %arg9[%swap3A, %swap3A_97], %swap3A_100 {strides = array<i32>} : memref<256x32xf32, #tpu.memory_space<vmem>>, vector<1x16xf32>,
        %and3A = arith.constant -65536 : i32
        %and3A_101 = vector.broadcast %and3A : i32 to vector<16xi32>
        %and3A_102 = arith.andi %get3A_94, %and3A_101 : vector<16xi32>
        %bitcast_convert_type3A_103 = tpu.bitcast %and3A_102 : vector<16xi32> -> vector<16xf32>
        %swap3A_104 = arith.index_cast %add3A_91 : i32 to index
        %swap3A_105 = arith.constant 16 : index
        %swap3A_106 = tpu.vector_load %arg9[%swap3A_104, %swap3A_105] {strides = array<i32>} : memref<256x32xf32, #tpu.memory_space<vmem>>, vector<1x16xf32>,
        %swap3A_107 = vector.shape_cast %swap3A_106 : vector<1x16xf32> to vector<16xf32>
        %swap3A_108 = vector.shape_cast %bitcast_convert_type3A_103 : vector<16xf32> to vector<1x16xf32>
        tpu.vector_store %arg9[%swap3A_104, %swap3A_105], %swap3A_108 {strides = array<i32>} : memref<256x32xf32, #tpu.memory_space<vmem>>, vector<1x16xf32>,
      }
      %scan3A_80 = arith.constant 128 : i32
      %add3A_81 = arith.addi %while3A_54, %sub3A_4 : i32
      %dma_start3A_82 = arith.constant 0 : i32
      %dma_start3A_83 = tpu.memref_slice %arg9[%mul3A_57, %dma_start3A_82] : memref<256x32xf32, #tpu.memory_space<vmem>> -> memref<128x32xf32, #tpu.memory_space<vmem>>
      %dma_start3A_84 = arith.constant 0 : i32
      %dma_start3A_85 = tpu.memref_slice %arg7[%add3A_81, %dma_start3A_84] : memref<79x128xi32, #tpu.memory_space<vmem>> -> memref<1x128xi32, #tpu.memory_space<vmem>>
      %dma_start3A_86 = tpu.memref_squeeze %dma_start3A_85 : memref<1x128xi32, #tpu.memory_space<vmem>> -> memref<128xi32, #tpu.memory_space<vmem>>
      %dma_start3A_87 = arith.constant 0 : i32
      %dma_start3A_88 = arith.constant 0 : i32
      %dma_start3A_89 = tpu.memref_slice %arg10[%dma_start3A_87, %dma_start3A_88] : memref<10240x32xf32, #tpu.memory_space<vmem_shared>> -> memref<10240x32xf32, #tpu.memory_space<vmem_shared>>
      tpu.enqueue_indirect_dma source(%dma_start3A_83 : memref<128x32xf32, #tpu.memory_space<vmem>>) target(%dma_start3A_89 : memref<10240x32xf32, #tpu.memory_space<vmem_shared>>) offsets(%dma_start3A_86 : memref<128xi32, #tpu.memory_space<vmem>>) semaphore(%arg12 : memref<!tpu.dma_semaphore, #tpu.memory_space<semaphore_mem>>) {add = true}
    }
    %while3A_29 = arith.constant 1 : i32
    scf.for %while3A_54 = %while3A_27 to %while3A_23 step %while3A_29  : i32 {
      %rem3A = arith.constant 2 : i32
      %rem3A_55 = arith.remsi %while3A_54, %rem3A : i32
      %mul3A_56 = arith.constant 128 : i32
      %mul3A_57 = arith.muli %rem3A_55, %mul3A_56 : i32
      %add3A_58 = arith.addi %while3A_54, %sub3A_4 : i32
      %dma_wait3A_59 = arith.constant 0 : i32
      %dma_wait3A_60 = tpu.memref_slice %arg8[%mul3A_57, %dma_wait3A_59] : memref<256x16xi32, #tpu.memory_space<vmem>> -> memref<128x16xi32, #tpu.memory_space<vmem>>
      %dma_wait3A_61 = arith.constant 0 : i32
      %dma_wait3A_62 = tpu.memref_slice %arg6[%add3A_58, %dma_wait3A_61] : memref<79x128xi32, #tpu.memory_space<vmem>> -> memref<1x128xi32, #tpu.memory_space<vmem>>
      %dma_wait3A_63 = tpu.memref_squeeze %dma_wait3A_62 : memref<1x128xi32, #tpu.memory_space<vmem>> -> memref<128xi32, #tpu.memory_space<vmem>>
      %dma_wait3A_64 = arith.constant 0 : i32
      %dma_wait3A_65 = arith.constant 0 : i32
      %dma_wait3A_66 = tpu.memref_slice %arg2[%dma_wait3A_64, %dma_wait3A_65] : memref<10000x16xi32, #tpu.memory_space<hbm>> -> memref<10000x16xi32, #tpu.memory_space<hbm>>
      tpu.wait_indirect_dma semaphore(%arg11 : memref<!tpu.dma_semaphore, #tpu.memory_space<semaphore_mem>>) src(%dma_wait3A_66 : memref<10000x16xi32, #tpu.memory_space<hbm>>) dst(%dma_wait3A_60 : memref<128x16xi32, #tpu.memory_space<vmem>>)
      %ge3A = arith.constant 2 : i32
      %ge3A_67 = arith.cmpi sge, %while3A_54, %ge3A : i32
      %convert_element_type3A_68 = arith.extui %ge3A_67 : i1 to i32
      %cond3A = arith.constant 0 : i32
      %cond3A_69 = arith.cmpi ne, %convert_element_type3A_68, %cond3A : i32
      scf.if %cond3A_69 {
        %add3A_90 = arith.addi %while3A_54, %sub3A_4 : i32
        %dma_wait3A_91 = arith.constant 0 : i32
        %dma_wait3A_92 = tpu.memref_slice %arg9[%mul3A_57, %dma_wait3A_91] : memref<256x32xf32, #tpu.memory_space<vmem>> -> memref<128x32xf32, #tpu.memory_space<vmem>>
        %dma_wait3A_93 = arith.constant 0 : i32
        %dma_wait3A_94 = tpu.memref_slice %arg7[%add3A_90, %dma_wait3A_93] : memref<79x128xi32, #tpu.memory_space<vmem>> -> memref<1x128xi32, #tpu.memory_space<vmem>>
        %dma_wait3A_95 = tpu.memref_squeeze %dma_wait3A_94 : memref<1x128xi32, #tpu.memory_space<vmem>> -> memref<128xi32, #tpu.memory_space<vmem>>
        %dma_wait3A_96 = arith.constant 0 : i32
        %dma_wait3A_97 = arith.constant 0 : i32
        %dma_wait3A_98 = tpu.memref_slice %arg10[%dma_wait3A_96, %dma_wait3A_97] : memref<10240x32xf32, #tpu.memory_space<vmem_shared>> -> memref<10240x32xf32, #tpu.memory_space<vmem_shared>>
        tpu.wait_indirect_dma semaphore(%arg12 : memref<!tpu.dma_semaphore, #tpu.memory_space<semaphore_mem>>) src(%dma_wait3A_92 : memref<128x32xf32, #tpu.memory_space<vmem>>) dst(%dma_wait3A_98 : memref<10240x32xf32, #tpu.memory_space<vmem_shared>>)
      } else {
      }
      %add3A_70 = arith.constant 1 : i32
      %add3A_71 = arith.addi %while3A_54, %add3A_70 : i32
      %lt3A_72 = arith.cmpi slt, %add3A_71, %add3A_3 : i32
      %convert_element_type3A_73 = arith.extui %lt3A_72 : i1 to i32
      %cond3A_74 = arith.constant 0 : i32
      %cond3A_75 = arith.cmpi ne, %convert_element_type3A_73, %cond3A_74 : i32
      scf.if %cond3A_75 {
        %add3A_90 = arith.constant 1 : i32
        %add3A_91 = arith.addi %while3A_54, %add3A_90 : i32
        %add3A_92 = arith.addi %add3A_91, %sub3A_4 : i32
        %sub3A_93 = arith.constant 128 : i32
        %sub3A_94 = arith.subi %sub3A_93, %mul3A_57 : i32
        %dma_start3A_95 = arith.constant 0 : i32
        %dma_start3A_96 = tpu.memref_slice %arg8[%sub3A_94, %dma_start3A_95] : memref<256x16xi32, #tpu.memory_space<vmem>> -> memref<128x16xi32, #tpu.memory_space<vmem>>
        %dma_start3A_97 = arith.constant 0 : i32
        %dma_start3A_98 = tpu.memref_slice %arg6[%add3A_92, %dma_start3A_97] : memref<79x128xi32, #tpu.memory_space<vmem>> -> memref<1x128xi32, #tpu.memory_space<vmem>>
        %dma_start3A_99 = tpu.memref_squeeze %dma_start3A_98 : memref<1x128xi32, #tpu.memory_space<vmem>> -> memref<128xi32, #tpu.memory_space<vmem>>
        %dma_start3A_100 = arith.constant 0 : i32
        %dma_start3A_101 = arith.constant 0 : i32
        %dma_start3A_102 = tpu.memref_slice %arg2[%dma_start3A_100, %dma_start3A_101] : memref<10000x16xi32, #tpu.memory_space<hbm>> -> memref<10000x16xi32, #tpu.memory_space<hbm>>
        tpu.enqueue_indirect_dma source(%dma_start3A_102 : memref<10000x16xi32, #tpu.memory_space<hbm>>) target(%dma_start3A_96 : memref<128x16xi32, #tpu.memory_space<vmem>>) offsets(%dma_start3A_99 : memref<128xi32, #tpu.memory_space<vmem>>) semaphore(%arg11 : memref<!tpu.dma_semaphore, #tpu.memory_space<semaphore_mem>>)
      } else {
      }
      %scan3A = arith.constant 0 : i32
      %scan3A_76 = arith.constant 0 : i32
      %scan3A_77 = arith.constant 128 : i32
      %scan3A_78 = arith.addi %scan3A_76, %scan3A_77 : i32
      %scan3A_79 = arith.constant 1 : i32
      scf.for %scan3A_90 = %scan3A_76 to %scan3A_78 step %scan3A_79  : i32 {
        %add3A_91 = arith.addi %mul3A_57, %scan3A_90 : i32
        %get3A = arith.index_cast %add3A_91 : i32 to index
        %get3A_92 = arith.constant 0 : index
        %get3A_93 = tpu.vector_load %arg8[%get3A, %get3A_92] {strides = array<i32>} : memref<256x16xi32, #tpu.memory_space<vmem>>, vector<1x16xi32>,
        %get3A_94 = vector.shape_cast %get3A_93 : vector<1x16xi32> to vector<16xi32>
        %shift_left3A = arith.constant 16 : i32
        %shift_left3A_95 = vector.broadcast %shift_left3A : i32 to vector<16xi32>
        %shift_left3A_96 = arith.shli %get3A_94, %shift_left3A_95 : vector<16xi32>
        %bitcast_convert_type3A = tpu.bitcast %shift_left3A_96 : vector<16xi32> -> vector<16xf32>
        %swap3A = arith.index_cast %add3A_91 : i32 to index
        %swap3A_97 = arith.constant 0 : index
        %swap3A_98 = tpu.vector_load %arg9[%swap3A, %swap3A_97] {strides = array<i32>} : memref<256x32xf32, #tpu.memory_space<vmem>>, vector<1x16xf32>,
        %swap3A_99 = vector.shape_cast %swap3A_98 : vector<1x16xf32> to vector<16xf32>
        %swap3A_100 = vector.shape_cast %bitcast_convert_type3A : vector<16xf32> to vector<1x16xf32>
        tpu.vector_store %arg9[%swap3A, %swap3A_97], %swap3A_100 {strides = array<i32>} : memref<256x32xf32, #tpu.memory_space<vmem>>, vector<1x16xf32>,
        %and3A = arith.constant -65536 : i32
        %and3A_101 = vector.broadcast %and3A : i32 to vector<16xi32>
        %and3A_102 = arith.andi %get3A_94, %and3A_101 : vector<16xi32>
        %bitcast_convert_type3A_103 = tpu.bitcast %and3A_102 : vector<16xi32> -> vector<16xf32>
        %swap3A_104 = arith.index_cast %add3A_91 : i32 to index
        %swap3A_105 = arith.constant 16 : index
        %swap3A_106 = tpu.vector_load %arg9[%swap3A_104, %swap3A_105] {strides = array<i32>} : memref<256x32xf32, #tpu.memory_space<vmem>>, vector<1x16xf32>,
        %swap3A_107 = vector.shape_cast %swap3A_106 : vector<1x16xf32> to vector<16xf32>
        %swap3A_108 = vector.shape_cast %bitcast_convert_type3A_103 : vector<16xf32> to vector<1x16xf32>
        tpu.vector_store %arg9[%swap3A_104, %swap3A_105], %swap3A_108 {strides = array<i32>} : memref<256x32xf32, #tpu.memory_space<vmem>>, vector<1x16xf32>,
      }
      %scan3A_80 = arith.constant 128 : i32
      %add3A_81 = arith.addi %while3A_54, %sub3A_4 : i32
      %dma_start3A_82 = arith.constant 0 : i32
      %dma_start3A_83 = tpu.memref_slice %arg9[%mul3A_57, %dma_start3A_82] : memref<256x32xf32, #tpu.memory_space<vmem>> -> memref<128x32xf32, #tpu.memory_space<vmem>>
      %dma_start3A_84 = arith.constant 0 : i32
      %dma_start3A_85 = tpu.memref_slice %arg7[%add3A_81, %dma_start3A_84] : memref<79x128xi32, #tpu.memory_space<vmem>> -> memref<1x128xi32, #tpu.memory_space<vmem>>
      %dma_start3A_86 = tpu.memref_squeeze %dma_start3A_85 : memref<1x128xi32, #tpu.memory_space<vmem>> -> memref<128xi32, #tpu.memory_space<vmem>>
      %dma_start3A_87 = arith.constant 0 : i32
      %dma_start3A_88 = arith.constant 0 : i32
      %dma_start3A_89 = tpu.memref_slice %arg10[%dma_start3A_87, %dma_start3A_88] : memref<10240x32xf32, #tpu.memory_space<vmem_shared>> -> memref<10240x32xf32, #tpu.memory_space<vmem_shared>>
      tpu.enqueue_indirect_dma source(%dma_start3A_83 : memref<128x32xf32, #tpu.memory_space<vmem>>) target(%dma_start3A_89 : memref<10240x32xf32, #tpu.memory_space<vmem_shared>>) offsets(%dma_start3A_86 : memref<128xi32, #tpu.memory_space<vmem>>) semaphore(%arg12 : memref<!tpu.dma_semaphore, #tpu.memory_space<semaphore_mem>>) {add = true}
    }
    %dma_wait3A = arith.constant 0 : i32
    %dma_wait3A_30 = arith.constant 0 : i32
    %dma_wait3A_31 = arith.constant 0 : i32
    %dma_wait3A_32 = tpu.memref_slice %arg9[%dma_wait3A_30, %dma_wait3A_31] : memref<256x32xf32, #tpu.memory_space<vmem>> -> memref<128x32xf32, #tpu.memory_space<vmem>>
    %dma_wait3A_33 = arith.constant 0 : i32
    %dma_wait3A_34 = tpu.memref_slice %arg7[%dma_wait3A, %dma_wait3A_33] : memref<79x128xi32, #tpu.memory_space<vmem>> -> memref<1x128xi32, #tpu.memory_space<vmem>>
    %dma_wait3A_35 = tpu.memref_squeeze %dma_wait3A_34 : memref<1x128xi32, #tpu.memory_space<vmem>> -> memref<128xi32, #tpu.memory_space<vmem>>
    %dma_wait3A_36 = arith.constant 0 : i32
    %dma_wait3A_37 = arith.constant 0 : i32
    %dma_wait3A_38 = tpu.memref_slice %arg10[%dma_wait3A_36, %dma_wait3A_37] : memref<10240x32xf32, #tpu.memory_space<vmem_shared>> -> memref<10240x32xf32, #tpu.memory_space<vmem_shared>>
    tpu.wait_indirect_dma semaphore(%arg12 : memref<!tpu.dma_semaphore, #tpu.memory_space<semaphore_mem>>) src(%dma_wait3A_32 : memref<128x32xf32, #tpu.memory_space<vmem>>) dst(%dma_wait3A_38 : memref<10240x32xf32, #tpu.memory_space<vmem_shared>>)
    %dma_wait3A_39 = arith.constant 0 : i32
    %dma_wait3A_40 = arith.constant 0 : i32
    %dma_wait3A_41 = arith.constant 0 : i32
    %dma_wait3A_42 = tpu.memref_slice %arg9[%dma_wait3A_40, %dma_wait3A_41] : memref<256x32xf32, #tpu.memory_space<vmem>> -> memref<128x32xf32, #tpu.memory_space<vmem>>
    %dma_wait3A_43 = arith.constant 0 : i32
    %dma_wait3A_44 = tpu.memref_slice %arg7[%dma_wait3A_39, %dma_wait3A_43] : memref<79x128xi32, #tpu.memory_space<vmem>> -> memref<1x128xi32, #tpu.memory_space<vmem>>
    %dma_wait3A_45 = tpu.memref_squeeze %dma_wait3A_44 : memref<1x128xi32, #tpu.memory_space<vmem>> -> memref<128xi32, #tpu.memory_space<vmem>>
    %dma_wait3A_46 = arith.constant 0 : i32
    %dma_wait3A_47 = arith.constant 0 : i32
    %dma_wait3A_48 = tpu.memref_slice %arg10[%dma_wait3A_46, %dma_wait3A_47] : memref<10240x32xf32, #tpu.memory_space<vmem_shared>> -> memref<10240x32xf32, #tpu.memory_space<vmem_shared>>
    tpu.wait_indirect_dma semaphore(%arg12 : memref<!tpu.dma_semaphore, #tpu.memory_space<semaphore_mem>>) src(%dma_wait3A_42 : memref<128x32xf32, #tpu.memory_space<vmem>>) dst(%dma_wait3A_48 : memref<10240x32xf32, #tpu.memory_space<vmem_shared>>)
    %barrier3A_49 = arith.constant 0 : index
    tpu.barrier barrier_id(%barrier3A_49)
    %mul3A_50 = arith.constant 640 : i32
    %mul3A_51 = arith.muli %arg1, %mul3A_50 : i32
    %mul3A_52 = arith.constant 640 : i32
    %mul3A_53 = arith.muli %arg1, %mul3A_52 : i32
    "tpu.region"() ({
      %run_scoped3A_54 = tpu.sem_alloc : memref<!tpu.dma_semaphore, #tpu.memory_space<semaphore_mem>>
      %dma_start3A_55 = arith.constant 0 : i32
      %dma_start3A_56 = tpu.memref_slice %arg5[%arg0, %mul3A_53, %dma_start3A_55] : memref<2x10240x32xf32, #tpu.memory_space<hbm>> -> memref<1x640x32xf32, #tpu.memory_space<hbm>>
      %dma_start3A_57 = tpu.memref_squeeze %dma_start3A_56 : memref<1x640x32xf32, #tpu.memory_space<hbm>> -> memref<640x32xf32, #tpu.memory_space<hbm>>
      %dma_start3A_58 = arith.constant 0 : i32
      %dma_start3A_59 = tpu.memref_slice %arg10[%mul3A_51, %dma_start3A_58] : memref<10240x32xf32, #tpu.memory_space<vmem_shared>> -> memref<640x32xf32, #tpu.memory_space<vmem_shared>>
      tpu.enqueue_dma source(%dma_start3A_59 : memref<640x32xf32, #tpu.memory_space<vmem_shared>>) target(%dma_start3A_57 : memref<640x32xf32, #tpu.memory_space<hbm>>) target_semaphore(%run_scoped3A_54 : memref<!tpu.dma_semaphore, #tpu.memory_space<semaphore_mem>>)
      %dma_wait3A_60 = arith.constant 0 : i32
      %dma_wait3A_61 = tpu.memref_slice %arg5[%arg0, %mul3A_53, %dma_wait3A_60] : memref<2x10240x32xf32, #tpu.memory_space<hbm>> -> memref<1x640x32xf32, #tpu.memory_space<hbm>>
      %dma_wait3A_62 = tpu.memref_squeeze %dma_wait3A_61 : memref<1x640x32xf32, #tpu.memory_space<hbm>> -> memref<640x32xf32, #tpu.memory_space<hbm>>
      %dma_wait3A_63 = arith.constant 0 : i32
      %dma_wait3A_64 = tpu.memref_slice %arg10[%mul3A_51, %dma_wait3A_63] : memref<10240x32xf32, #tpu.memory_space<vmem_shared>> -> memref<640x32xf32, #tpu.memory_space<vmem_shared>>
      tpu.wait_dma2 semaphore(%run_scoped3A_54 : memref<!tpu.dma_semaphore, #tpu.memory_space<semaphore_mem>>) src(%dma_wait3A_64 : memref<640x32xf32, #tpu.memory_space<vmem_shared>>) dst(%dma_wait3A_62 : memref<640x32xf32, #tpu.memory_space<hbm>>)
      tpu.yield
    }) : () -> ()
    return
  }
}

module attributes {stable_mosaic.version = 14 : i64} {
  func.func @_lin1_body(%arg0: i32, %arg1: memref<2000x128xf32, #tpu.memory_space<vmem>>, %arg2: memref<64x128xf32, #tpu.memory_space<vmem>>, %arg3: memref<64x128xf32, #tpu.memory_space<vmem>>, %arg4: memref<1x64xf32, #tpu.memory_space<vmem>>, %arg5: memref<2000x32xi32, #tpu.memory_space<vmem>>, %arg6: memref<2000x64xf32, #tpu.memory_space<vmem>>) attributes {dimension_semantics = [#tpu.dimension_semantics<arbitrary>], iteration_bounds = array<i64: 5>, scalar_prefetch = 0 : i64, scratch_operands = 0 : i64, tpu.core_type = #tpu.core_type<tc>, window_params = [{transform_indices = @transform_0, window_bounds = array<i64: 2000, 128>}, {pipeline_mode = #tpu.pipeline_mode<synchronous>, transform_indices = @transform_1, window_bounds = array<i64: 64, 128>}, {pipeline_mode = #tpu.pipeline_mode<synchronous>, transform_indices = @transform_2, window_bounds = array<i64: 64, 128>}, {pipeline_mode = #tpu.pipeline_mode<synchronous>, transform_indices = @transform_3, window_bounds = array<i64: 1, 64>}, {transform_indices = @transform_4, window_bounds = array<i64: 2000, 32>}, {transform_indices = @transform_5, window_bounds = array<i64: 2000, 64>}]} {
    %get3A = arith.constant 0 : index
    %get3A_0 = arith.constant 0 : index
    %get3A_1 = vector.load %arg1[%get3A, %get3A_0] : memref<2000x128xf32, #tpu.memory_space<vmem>>, vector<2000x128xf32>
    %get3A_2 = arith.constant 0 : index
    %get3A_3 = arith.constant 0 : index
    %get3A_4 = vector.load %arg2[%get3A_2, %get3A_3] : memref<64x128xf32, #tpu.memory_space<vmem>>, vector<64x128xf32>
    %dot_general3A = arith.constant dense<0.000000e+00> : vector<2000x64xf32>
    %dot_general3A_5 = tpu.matmul %get3A_1, %get3A_4, %dot_general3A {dimension_numbers = #tpu.dot_dimension_numbers<[1], [1], [0], [0], [0, 0, 1, 0], [], []>, transpose_lhs_hint = false} : vector<2000x128xf32>, vector<64x128xf32>, vector<2000x64xf32> -> vector<2000x64xf32>
    %bitcast_convert_type3A = tpu.bitcast %dot_general3A_5 : vector<2000x64xf32> -> vector<2000x64xi32>
    %add3A = arith.constant 32767 : i32
    %add3A_6 = vector.broadcast %add3A : i32 to vector<2000x64xi32>
    %add3A_7 = arith.addi %bitcast_convert_type3A, %add3A_6 : vector<2000x64xi32>
    %shift_right_arithmetic3A = arith.constant 16 : i32
    %shift_right_arithmetic3A_8 = vector.broadcast %shift_right_arithmetic3A : i32 to vector<2000x64xi32>
    %shift_right_arithmetic3A_9 = arith.shrsi %bitcast_convert_type3A, %shift_right_arithmetic3A_8 : vector<2000x64xi32>
    %and3A = arith.constant 1 : i32
    %and3A_10 = vector.broadcast %and3A : i32 to vector<2000x64xi32>
    %and3A_11 = arith.andi %shift_right_arithmetic3A_9, %and3A_10 : vector<2000x64xi32>
    %add3A_12 = arith.addi %add3A_7, %and3A_11 : vector<2000x64xi32>
    %shift_right_arithmetic3A_13 = arith.constant 16 : i32
    %shift_right_arithmetic3A_14 = vector.broadcast %shift_right_arithmetic3A_13 : i32 to vector<2000x64xi32>
    %shift_right_arithmetic3A_15 = arith.shrsi %add3A_12, %shift_right_arithmetic3A_14 : vector<2000x64xi32>
    %and3A_16 = arith.constant 65535 : i32
    %and3A_17 = vector.broadcast %and3A_16 : i32 to vector<2000x64xi32>
    %and3A_18 = arith.andi %shift_right_arithmetic3A_15, %and3A_17 : vector<2000x64xi32>
    %slice3A = vector.extract_strided_slice %and3A_18 {offsets = [0, 0], sizes = [2000, 16], strides = [1, 1]} : vector<2000x64xi32> to vector<2000x16xi32>
    %slice3A_19 = vector.extract_strided_slice %and3A_18 {offsets = [0, 16], sizes = [2000, 16], strides = [1, 1]} : vector<2000x64xi32> to vector<2000x16xi32>
    %shift_left3A = arith.constant 16 : i32
    %shift_left3A_20 = vector.broadcast %shift_left3A : i32 to vector<2000x16xi32>
    %shift_left3A_21 = arith.shli %slice3A_19, %shift_left3A_20 : vector<2000x16xi32>
    %or3A = arith.ori %slice3A, %shift_left3A_21 : vector<2000x16xi32>
    %slice3A_22 = vector.extract_strided_slice %and3A_18 {offsets = [0, 32], sizes = [2000, 16], strides = [1, 1]} : vector<2000x64xi32> to vector<2000x16xi32>
    %slice3A_23 = vector.extract_strided_slice %and3A_18 {offsets = [0, 48], sizes = [2000, 16], strides = [1, 1]} : vector<2000x64xi32> to vector<2000x16xi32>
    %shift_left3A_24 = arith.constant 16 : i32
    %shift_left3A_25 = vector.broadcast %shift_left3A_24 : i32 to vector<2000x16xi32>
    %shift_left3A_26 = arith.shli %slice3A_23, %shift_left3A_25 : vector<2000x16xi32>
    %or3A_27 = arith.ori %slice3A_22, %shift_left3A_26 : vector<2000x16xi32>
    %concatenate3A = tpu.concatenate %or3A, %or3A_27 in 1 : vector<2000x16xi32>, vector<2000x16xi32> -> vector<2000x32xi32>
    %swap3A = arith.constant 0 : index
    %swap3A_28 = arith.constant 0 : index
    %swap3A_29 = vector.load %arg5[%swap3A, %swap3A_28] : memref<2000x32xi32, #tpu.memory_space<vmem>>, vector<2000x32xi32>
    tpu.vector_store %arg5[%swap3A, %swap3A_28], %concatenate3A {strides = array<i32>} : memref<2000x32xi32, #tpu.memory_space<vmem>>, vector<2000x32xi32>,
    %get3A_30 = arith.constant 0 : index
    %get3A_31 = arith.constant 0 : index
    %get3A_32 = vector.load %arg3[%get3A_30, %get3A_31] : memref<64x128xf32, #tpu.memory_space<vmem>>, vector<64x128xf32>
    %dot_general3A_33 = arith.constant dense<0.000000e+00> : vector<2000x64xf32>
    %dot_general3A_34 = tpu.matmul %get3A_1, %get3A_32, %dot_general3A_33 {dimension_numbers = #tpu.dot_dimension_numbers<[1], [1], [0], [0], [0, 0, 1, 0], [], []>, transpose_lhs_hint = false} : vector<2000x128xf32>, vector<64x128xf32>, vector<2000x64xf32> -> vector<2000x64xf32>
    %get3A_35 = arith.constant 0 : index
    %get3A_36 = arith.constant 0 : index
    %get3A_37 = vector.load %arg4[%get3A_35, %get3A_36] : memref<1x64xf32, #tpu.memory_space<vmem>>, vector<1x64xf32>
    %add3A_38 = vector.broadcast %get3A_37 : vector<1x64xf32> to vector<2000x64xf32>
    %add3A_39 = arith.addf %dot_general3A_34, %add3A_38 : vector<2000x64xf32>
    %swap3A_40 = arith.constant 0 : index
    %swap3A_41 = arith.constant 0 : index
    %swap3A_42 = vector.load %arg6[%swap3A_40, %swap3A_41] : memref<2000x64xf32, #tpu.memory_space<vmem>>, vector<2000x64xf32>
    tpu.vector_store %arg6[%swap3A_40, %swap3A_41], %add3A_39 {strides = array<i32>} : memref<2000x64xf32, #tpu.memory_space<vmem>>, vector<2000x64xf32>,
    return
  }
  func.func @transform_0(%arg0: i32) -> (i32, i32) {
    %c0_i32 = arith.constant 0 : i32
    %c0_i32_0 = arith.constant 0 : i32
    return %arg0, %c0_i32 : i32, i32
  }
  func.func @transform_1(%arg0: i32) -> (i32, i32) {
    %c0_i32 = arith.constant 0 : i32
    %c0_i32_0 = arith.constant 0 : i32
    %c0_i32_1 = arith.constant 0 : i32
    return %c0_i32, %c0_i32_0 : i32, i32
  }
  func.func @transform_2(%arg0: i32) -> (i32, i32) {
    %c0_i32 = arith.constant 0 : i32
    %c0_i32_0 = arith.constant 0 : i32
    %c0_i32_1 = arith.constant 0 : i32
    return %c0_i32, %c0_i32_0 : i32, i32
  }
  func.func @transform_3(%arg0: i32) -> (i32, i32) {
    %c0_i32 = arith.constant 0 : i32
    %c0_i32_0 = arith.constant 0 : i32
    %c0_i32_1 = arith.constant 0 : i32
    return %c0_i32, %c0_i32_0 : i32, i32
  }
  func.func @transform_4(%arg0: i32) -> (i32, i32) {
    %c0_i32 = arith.constant 0 : i32
    %c0_i32_0 = arith.constant 0 : i32
    return %arg0, %c0_i32 : i32, i32
  }
  func.func @transform_5(%arg0: i32) -> (i32, i32) {
    %c0_i32 = arith.constant 0 : i32
    %c0_i32_0 = arith.constant 0 : i32
    return %arg0, %c0_i32 : i32, i32
  }
}

module attributes {stable_mosaic.version = 14 : i64} {
  func.func @_mid_body(%arg0: i32, %arg1: memref<2x2000x64xf32, #tpu.memory_space<vmem>>, %arg2: memref<2x2000x16xf32, #tpu.memory_space<vmem>>, %arg3: memref<2000x64xf32, #tpu.memory_space<vmem>>, %arg4: memref<32x64xf32, #tpu.memory_space<vmem>>, %arg5: memref<32x64xf32, #tpu.memory_space<vmem>>, %arg6: memref<1x32xf32, #tpu.memory_space<vmem>>, %arg7: memref<2000x16xi32, #tpu.memory_space<vmem>>, %arg8: memref<2000x32xf32, #tpu.memory_space<vmem>>) attributes {dimension_semantics = [#tpu.dimension_semantics<arbitrary>], iteration_bounds = array<i64: 5>, scalar_prefetch = 0 : i64, scratch_operands = 0 : i64, tpu.core_type = #tpu.core_type<tc>, window_params = [{transform_indices = @transform_0, window_bounds = array<i64: 2, 2000, 64>}, {transform_indices = @transform_1, window_bounds = array<i64: 2, 2000, 16>}, {transform_indices = @transform_2, window_bounds = array<i64: 2000, 64>}, {pipeline_mode = #tpu.pipeline_mode<synchronous>, transform_indices = @transform_3, window_bounds = array<i64: 32, 64>}, {pipeline_mode = #tpu.pipeline_mode<synchronous>, transform_indices = @transform_4, window_bounds = array<i64: 32, 64>}, {pipeline_mode = #tpu.pipeline_mode<synchronous>, transform_indices = @transform_5, window_bounds = array<i64: 1, 32>}, {transform_indices = @transform_6, window_bounds = array<i64: 2000, 16>}, {transform_indices = @transform_7, window_bounds = array<i64: 2000, 32>}]} {
    %get3A = arith.constant 0 : index
    %get3A_0 = arith.constant 0 : index
    %get3A_1 = arith.constant 0 : index
    %get3A_2 = vector.load %arg2[%get3A, %get3A_0, %get3A_1] : memref<2x2000x16xf32, #tpu.memory_space<vmem>>, vector<1x2000x16xf32>
    %get3A_3 = vector.shape_cast %get3A_2 : vector<1x2000x16xf32> to vector<2000x16xf32>
    %get3A_4 = arith.constant 1 : index
    %get3A_5 = arith.constant 0 : index
    %get3A_6 = arith.constant 0 : index
    %get3A_7 = vector.load %arg2[%get3A_4, %get3A_5, %get3A_6] : memref<2x2000x16xf32, #tpu.memory_space<vmem>>, vector<1x2000x16xf32>
    %get3A_8 = vector.shape_cast %get3A_7 : vector<1x2000x16xf32> to vector<2000x16xf32>
    %add3A = arith.addf %get3A_3, %get3A_8 : vector<2000x16xf32>
    %slice3A = vector.extract_strided_slice %add3A {offsets = [0, 0], sizes = [2000, 1], strides = [1, 1]} : vector<2000x16xf32> to vector<2000x1xf32>
    %max3A = arith.constant 1.000000e+00 : f32
    %max3A_9 = vector.broadcast %max3A : f32 to vector<2000x1xf32>
    %max3A_10 = arith.maximumf %slice3A, %max3A_9 : vector<2000x1xf32>
    %div3A = arith.constant 1.000000e+00 : f32
    %div3A_11 = vector.broadcast %div3A : f32 to vector<2000x1xf32>
    %div3A_12 = arith.divf %div3A_11, %max3A_10 : vector<2000x1xf32>
    %get3A_13 = arith.constant 0 : index
    %get3A_14 = arith.constant 0 : index
    %get3A_15 = arith.constant 0 : index
    %get3A_16 = vector.load %arg1[%get3A_13, %get3A_14, %get3A_15] : memref<2x2000x64xf32, #tpu.memory_space<vmem>>, vector<1x2000x64xf32>
    %get3A_17 = vector.shape_cast %get3A_16 : vector<1x2000x64xf32> to vector<2000x64xf32>
    %get3A_18 = arith.constant 1 : index
    %get3A_19 = arith.constant 0 : index
    %get3A_20 = arith.constant 0 : index
    %get3A_21 = vector.load %arg1[%get3A_18, %get3A_19, %get3A_20] : memref<2x2000x64xf32, #tpu.memory_space<vmem>>, vector<1x2000x64xf32>
    %get3A_22 = vector.shape_cast %get3A_21 : vector<1x2000x64xf32> to vector<2000x64xf32>
    %add3A_23 = arith.addf %get3A_17, %get3A_22 : vector<2000x64xf32>
    %mul3A = vector.broadcast %div3A_12 : vector<2000x1xf32> to vector<2000x64xf32>
    %mul3A_24 = arith.mulf %add3A_23, %mul3A : vector<2000x64xf32>
    %get3A_25 = arith.constant 0 : index
    %get3A_26 = arith.constant 0 : index
    %get3A_27 = vector.load %arg3[%get3A_25, %get3A_26] : memref<2000x64xf32, #tpu.memory_space<vmem>>, vector<2000x64xf32>
    %add3A_28 = arith.addf %mul3A_24, %get3A_27 : vector<2000x64xf32>
    %max3A_29 = arith.constant 0.000000e+00 : f32
    %max3A_30 = vector.broadcast %max3A_29 : f32 to vector<2000x64xf32>
    %max3A_31 = arith.maximumf %add3A_28, %max3A_30 : vector<2000x64xf32>
    %get3A_32 = arith.constant 0 : index
    %get3A_33 = arith.constant 0 : index
    %get3A_34 = vector.load %arg4[%get3A_32, %get3A_33] : memref<32x64xf32, #tpu.memory_space<vmem>>, vector<32x64xf32>
    %dot_general3A = arith.constant dense<0.000000e+00> : vector<2000x32xf32>
    %dot_general3A_35 = tpu.matmul %max3A_31, %get3A_34, %dot_general3A {dimension_numbers = #tpu.dot_dimension_numbers<[1], [1], [0], [0], [0, 0, 1, 0], [], []>, transpose_lhs_hint = false} : vector<2000x64xf32>, vector<32x64xf32>, vector<2000x32xf32> -> vector<2000x32xf32>
    %bitcast_convert_type3A = tpu.bitcast %dot_general3A_35 : vector<2000x32xf32> -> vector<2000x32xi32>
    %add3A_36 = arith.constant 32767 : i32
    %add3A_37 = vector.broadcast %add3A_36 : i32 to vector<2000x32xi32>
    %add3A_38 = arith.addi %bitcast_convert_type3A, %add3A_37 : vector<2000x32xi32>
    %shift_right_arithmetic3A = arith.constant 16 : i32
    %shift_right_arithmetic3A_39 = vector.broadcast %shift_right_arithmetic3A : i32 to vector<2000x32xi32>
    %shift_right_arithmetic3A_40 = arith.shrsi %bitcast_convert_type3A, %shift_right_arithmetic3A_39 : vector<2000x32xi32>
    %and3A = arith.constant 1 : i32
    %and3A_41 = vector.broadcast %and3A : i32 to vector<2000x32xi32>
    %and3A_42 = arith.andi %shift_right_arithmetic3A_40, %and3A_41 : vector<2000x32xi32>
    %add3A_43 = arith.addi %add3A_38, %and3A_42 : vector<2000x32xi32>
    %shift_right_arithmetic3A_44 = arith.constant 16 : i32
    %shift_right_arithmetic3A_45 = vector.broadcast %shift_right_arithmetic3A_44 : i32 to vector<2000x32xi32>
    %shift_right_arithmetic3A_46 = arith.shrsi %add3A_43, %shift_right_arithmetic3A_45 : vector<2000x32xi32>
    %and3A_47 = arith.constant 65535 : i32
    %and3A_48 = vector.broadcast %and3A_47 : i32 to vector<2000x32xi32>
    %and3A_49 = arith.andi %shift_right_arithmetic3A_46, %and3A_48 : vector<2000x32xi32>
    %slice3A_50 = vector.extract_strided_slice %and3A_49 {offsets = [0, 0], sizes = [2000, 16], strides = [1, 1]} : vector<2000x32xi32> to vector<2000x16xi32>
    %slice3A_51 = vector.extract_strided_slice %and3A_49 {offsets = [0, 16], sizes = [2000, 16], strides = [1, 1]} : vector<2000x32xi32> to vector<2000x16xi32>
    %shift_left3A = arith.constant 16 : i32
    %shift_left3A_52 = vector.broadcast %shift_left3A : i32 to vector<2000x16xi32>
    %shift_left3A_53 = arith.shli %slice3A_51, %shift_left3A_52 : vector<2000x16xi32>
    %or3A = arith.ori %slice3A_50, %shift_left3A_53 : vector<2000x16xi32>
    %swap3A = arith.constant 0 : index
    %swap3A_54 = arith.constant 0 : index
    %swap3A_55 = vector.load %arg7[%swap3A, %swap3A_54] : memref<2000x16xi32, #tpu.memory_space<vmem>>, vector<2000x16xi32>
    tpu.vector_store %arg7[%swap3A, %swap3A_54], %or3A {strides = array<i32>} : memref<2000x16xi32, #tpu.memory_space<vmem>>, vector<2000x16xi32>,
    %get3A_56 = arith.constant 0 : index
    %get3A_57 = arith.constant 0 : index
    %get3A_58 = vector.load %arg5[%get3A_56, %get3A_57] : memref<32x64xf32, #tpu.memory_space<vmem>>, vector<32x64xf32>
    %dot_general3A_59 = arith.constant dense<0.000000e+00> : vector<2000x32xf32>
    %dot_general3A_60 = tpu.matmul %max3A_31, %get3A_58, %dot_general3A_59 {dimension_numbers = #tpu.dot_dimension_numbers<[1], [1], [0], [0], [0, 0, 1, 0], [], []>, transpose_lhs_hint = false} : vector<2000x64xf32>, vector<32x64xf32>, vector<2000x32xf32> -> vector<2000x32xf32>
    %get3A_61 = arith.constant 0 : index
    %get3A_62 = arith.constant 0 : index
    %get3A_63 = vector.load %arg6[%get3A_61, %get3A_62] : memref<1x32xf32, #tpu.memory_space<vmem>>, vector<1x32xf32>
    %add3A_64 = vector.broadcast %get3A_63 : vector<1x32xf32> to vector<2000x32xf32>
    %add3A_65 = arith.addf %dot_general3A_60, %add3A_64 : vector<2000x32xf32>
    %swap3A_66 = arith.constant 0 : index
    %swap3A_67 = arith.constant 0 : index
    %swap3A_68 = vector.load %arg8[%swap3A_66, %swap3A_67] : memref<2000x32xf32, #tpu.memory_space<vmem>>, vector<2000x32xf32>
    tpu.vector_store %arg8[%swap3A_66, %swap3A_67], %add3A_65 {strides = array<i32>} : memref<2000x32xf32, #tpu.memory_space<vmem>>, vector<2000x32xf32>,
    return
  }
  func.func @transform_0(%arg0: i32) -> (i32, i32, i32) {
    %c0_i32 = arith.constant 0 : i32
    %c0_i32_0 = arith.constant 0 : i32
    %c0_i32_1 = arith.constant 0 : i32
    return %c0_i32, %arg0, %c0_i32_0 : i32, i32, i32
  }
  func.func @transform_1(%arg0: i32) -> (i32, i32, i32) {
    %c0_i32 = arith.constant 0 : i32
    %c0_i32_0 = arith.constant 0 : i32
    %c0_i32_1 = arith.constant 0 : i32
    return %c0_i32, %arg0, %c0_i32_0 : i32, i32, i32
  }
  func.func @transform_2(%arg0: i32) -> (i32, i32) {
    %c0_i32 = arith.constant 0 : i32
    %c0_i32_0 = arith.constant 0 : i32
    return %arg0, %c0_i32 : i32, i32
  }
  func.func @transform_3(%arg0: i32) -> (i32, i32) {
    %c0_i32 = arith.constant 0 : i32
    %c0_i32_0 = arith.constant 0 : i32
    %c0_i32_1 = arith.constant 0 : i32
    return %c0_i32, %c0_i32_0 : i32, i32
  }
  func.func @transform_4(%arg0: i32) -> (i32, i32) {
    %c0_i32 = arith.constant 0 : i32
    %c0_i32_0 = arith.constant 0 : i32
    %c0_i32_1 = arith.constant 0 : i32
    return %c0_i32, %c0_i32_0 : i32, i32
  }
  func.func @transform_5(%arg0: i32) -> (i32, i32) {
    %c0_i32 = arith.constant 0 : i32
    %c0_i32_0 = arith.constant 0 : i32
    %c0_i32_1 = arith.constant 0 : i32
    return %c0_i32, %c0_i32_0 : i32, i32
  }
  func.func @transform_6(%arg0: i32) -> (i32, i32) {
    %c0_i32 = arith.constant 0 : i32
    %c0_i32_0 = arith.constant 0 : i32
    return %arg0, %c0_i32 : i32, i32
  }
  func.func @transform_7(%arg0: i32) -> (i32, i32) {
    %c0_i32 = arith.constant 0 : i32
    %c0_i32_0 = arith.constant 0 : i32
    return %arg0, %c0_i32 : i32, i32
  }
}

module attributes {stable_mosaic.version = 14 : i64} {
  func.func @_out_body(%arg0: i32, %arg1: memref<2x2000x32xf32, #tpu.memory_space<vmem>>, %arg2: memref<2x2000x16xf32, #tpu.memory_space<vmem>>, %arg3: memref<2000x32xf32, #tpu.memory_space<vmem>>, %arg4: memref<2000x32xf32, #tpu.memory_space<vmem>>) attributes {dimension_semantics = [#tpu.dimension_semantics<arbitrary>], iteration_bounds = array<i64: 5>, scalar_prefetch = 0 : i64, scratch_operands = 0 : i64, tpu.core_type = #tpu.core_type<tc>, window_params = [{transform_indices = @transform_0, window_bounds = array<i64: 2, 2000, 32>}, {transform_indices = @transform_1, window_bounds = array<i64: 2, 2000, 16>}, {transform_indices = @transform_2, window_bounds = array<i64: 2000, 32>}, {transform_indices = @transform_3, window_bounds = array<i64: 2000, 32>}]} {
    %get3A = arith.constant 0 : index
    %get3A_0 = arith.constant 0 : index
    %get3A_1 = arith.constant 0 : index
    %get3A_2 = vector.load %arg2[%get3A, %get3A_0, %get3A_1] : memref<2x2000x16xf32, #tpu.memory_space<vmem>>, vector<1x2000x16xf32>
    %get3A_3 = vector.shape_cast %get3A_2 : vector<1x2000x16xf32> to vector<2000x16xf32>
    %get3A_4 = arith.constant 1 : index
    %get3A_5 = arith.constant 0 : index
    %get3A_6 = arith.constant 0 : index
    %get3A_7 = vector.load %arg2[%get3A_4, %get3A_5, %get3A_6] : memref<2x2000x16xf32, #tpu.memory_space<vmem>>, vector<1x2000x16xf32>
    %get3A_8 = vector.shape_cast %get3A_7 : vector<1x2000x16xf32> to vector<2000x16xf32>
    %add3A = arith.addf %get3A_3, %get3A_8 : vector<2000x16xf32>
    %slice3A = vector.extract_strided_slice %add3A {offsets = [0, 0], sizes = [2000, 1], strides = [1, 1]} : vector<2000x16xf32> to vector<2000x1xf32>
    %max3A = arith.constant 1.000000e+00 : f32
    %max3A_9 = vector.broadcast %max3A : f32 to vector<2000x1xf32>
    %max3A_10 = arith.maximumf %slice3A, %max3A_9 : vector<2000x1xf32>
    %div3A = arith.constant 1.000000e+00 : f32
    %div3A_11 = vector.broadcast %div3A : f32 to vector<2000x1xf32>
    %div3A_12 = arith.divf %div3A_11, %max3A_10 : vector<2000x1xf32>
    %get3A_13 = arith.constant 0 : index
    %get3A_14 = arith.constant 0 : index
    %get3A_15 = arith.constant 0 : index
    %get3A_16 = vector.load %arg1[%get3A_13, %get3A_14, %get3A_15] : memref<2x2000x32xf32, #tpu.memory_space<vmem>>, vector<1x2000x32xf32>
    %get3A_17 = vector.shape_cast %get3A_16 : vector<1x2000x32xf32> to vector<2000x32xf32>
    %get3A_18 = arith.constant 1 : index
    %get3A_19 = arith.constant 0 : index
    %get3A_20 = arith.constant 0 : index
    %get3A_21 = vector.load %arg1[%get3A_18, %get3A_19, %get3A_20] : memref<2x2000x32xf32, #tpu.memory_space<vmem>>, vector<1x2000x32xf32>
    %get3A_22 = vector.shape_cast %get3A_21 : vector<1x2000x32xf32> to vector<2000x32xf32>
    %add3A_23 = arith.addf %get3A_17, %get3A_22 : vector<2000x32xf32>
    %mul3A = vector.broadcast %div3A_12 : vector<2000x1xf32> to vector<2000x32xf32>
    %mul3A_24 = arith.mulf %add3A_23, %mul3A : vector<2000x32xf32>
    %get3A_25 = arith.constant 0 : index
    %get3A_26 = arith.constant 0 : index
    %get3A_27 = vector.load %arg3[%get3A_25, %get3A_26] : memref<2000x32xf32, #tpu.memory_space<vmem>>, vector<2000x32xf32>
    %add3A_28 = arith.addf %mul3A_24, %get3A_27 : vector<2000x32xf32>
    %swap3A = arith.constant 0 : index
    %swap3A_29 = arith.constant 0 : index
    %swap3A_30 = vector.load %arg4[%swap3A, %swap3A_29] : memref<2000x32xf32, #tpu.memory_space<vmem>>, vector<2000x32xf32>
    tpu.vector_store %arg4[%swap3A, %swap3A_29], %add3A_28 {strides = array<i32>} : memref<2000x32xf32, #tpu.memory_space<vmem>>, vector<2000x32xf32>,
    return
  }
  func.func @transform_0(%arg0: i32) -> (i32, i32, i32) {
    %c0_i32 = arith.constant 0 : i32
    %c0_i32_0 = arith.constant 0 : i32
    %c0_i32_1 = arith.constant 0 : i32
    return %c0_i32, %arg0, %c0_i32_0 : i32, i32, i32
  }
  func.func @transform_1(%arg0: i32) -> (i32, i32, i32) {
    %c0_i32 = arith.constant 0 : i32
    %c0_i32_0 = arith.constant 0 : i32
    %c0_i32_1 = arith.constant 0 : i32
    return %c0_i32, %arg0, %c0_i32_0 : i32, i32, i32
  }
  func.func @transform_2(%arg0: i32) -> (i32, i32) {
    %c0_i32 = arith.constant 0 : i32
    %c0_i32_0 = arith.constant 0 : i32
    return %arg0, %c0_i32 : i32, i32
  }
  func.func @transform_3(%arg0: i32) -> (i32, i32) {
    %c0_i32 = arith.constant 0 : i32
    %c0_i32_0 = arith.constant 0 : i32
    return %arg0, %c0_i32 : i32, i32
  }
}

</mosaic_0001>

<sc_bundles>
// kernel: kernel.11.cloned.1.call-start
scs
__scs_entry_jumppad:
0x0: {  	(pc) =	sbr.rel $0x88, $3  }
0x1: {  	(tag) =	ssettag $0x0;
	lr =	simm.s32 $0x1  }
0x2: {  	[smem:$0x3F99] =	sst lr;
	_ =	strace $0xD0000000  }
0x3: {  	_ = 	snop  }
0x4: {  	_ = 	snop  }
0x5: {  	_ = 	snop  }
0x6: {  	_ = 	snop  }
0x7: {  	_ = 	snop  }
__scs_overlays_trampoline_lowered:
0x8: {  	[smem:$0x3FA8] =	sst s0  }
0x9: {  	[smem:$0x3FA9] =	sst s1  }
0xa: {  	[smem:$0x3FAA] =	sst s2  }
0xb: {  	[smem:$0x3FAB] =	sst s3  }
0xc: {  	[smem:$0x3FAC] =	sst s4  }
0xd: {  	[smem:$0x3FAD] =	sst s5  }
0xe: {  	[smem:$0x3FAE] =	sst s6  }
0xf: {  	[smem:$0x3FAF] =	sst s7  }
0x10: {  	[smem:$0x3FB0] =	sst s8  }
0x11: {  	[smem:$0x3FB1] =	sst s9;
	s0 =	simm.s32 @!p0 $0x0  }
0x12: {  	s1 =	sld [smem:$0x3F97];
	s0 =	simm.s32 @p0 $0x1  }
0x13: {  	[smem:$0x3FB2] =	sst s0;
	s0 =	simm.s32 @!p1 $0x0  }
0x14: {  	s2 =	sld [smem:$0x3F96];
	s0 =	simm.s32 @p1 $0x1  }
0x15: {  	[smem:$0x3FB3] =	sst s0;
	s0 =	simm.s32 @!p2 $0x0  }
0x16: {  	s3 =	sld [smem:$0x3FDB];
	s0 =	simm.s32 @p2 $0x1  }
0x17: {  	s4 =	simm.s32 $0x1BF5;
	[smem:$0x3FB5] =	sst s0  }
0x18: {  	s0 =	sld [smem:$0x3F98];
	_ =	swait.ge [sflag:s4], $0x0  }
0x19: {  	s7 =	sld [smem:$0x3F99]  }
0x1a: {  	s8 =	sadd.s32 $0xFFFFE003, lr  }
0x1b: {  	s9 =	sadd.s32 $0xFFFFFEF7, lr;
	s5 =	simm.s32 $0xFFFFFFFF;
	p2 =	slt.u32 s8, $0xFFFFF086  }
0x1c: {  	p1 =	slt.u32 s9, $0xF7A;
	s5 =	simm.s32 @!p2 $0x0  }
0x1d: {  	s5 =	simm.s32 @p1 $0x1;
	p0 =	seq.s32 s7, s2  }
0x1e: {  	s7 =	smul.u32 @!p0 $0xF7A, s2;
	p2 =	seq.s32 @!p0 s5, $0x0  }
0x1f: {  	s9 =	smul.u32 $0xF7A, s1;
	s8 =	simm.s32 @!p0 $0x1BF5;
	p2 =	por !p2, p0  }
0x20: {  	[sflag:s8] =	ssyncset.s32 @!p0 $0xFFFFF086;
	s6 =	sadd.s32 @!p0 s3, s7;
	s7 =	simm.s32 @!p0 $0x108  }
0x21: {  	s3 =	sadd.s32 s3, s9;
	s6 =	sadd.s32 @!p0 $0x88, s6;
	s7 =	simm.s32 @p2 $0x1082  }
0x22: {  	[simem:s7], [sflag:s8] =	dma.local @!p0 [hbm:s6], $0xF7A  }
0x23: {  	s9 =	sor.u32 $0xD0000000, s2;
	s6 =	simm.s32 $0x108;
	_ =	swait.ge @!p0 [sflag:s8], $0x0  }
0x24: {  	s3 =	sadd.s32 $0x88, s3;
	s6 =	simm.s32 @!p1 $0x1082;
	[sflag:s4] =	ssyncset.s32 $0xFFFFF086  }
0x25: {  	[simem:s6], [sflag:s4] =	dma.local [hbm:s3], $0xF7A  }
0x26: {  	[smem:$0x3F99] =	sst s1;
	(tag) =	ssettag s2;
	_ =	strace s9  }
0x27: {  	s1 =	sld [smem:$0x3FA9]  }
0x28: {  	s2 =	sld [smem:$0x3FAA]  }
0x29: {  	s4 =	sld [smem:$0x3FAC]  }
0x2a: {  	p0 =	seq.s32 s5, $0x0;
	s5 =	sld [smem:$0x3FAD]  }
0x2b: {  	s6 =	sld [smem:$0x3FAE]  }
0x2c: {  	s7 =	sld [smem:$0x3FAF]  }
0x2d: {  	s3 =	simm.s32 $0x108;
	s8 =	sld [smem:$0x3FB0]  }
0x2e: {  	s3 =	simm.s32 @!p0 $0x1082;
	s9 =	sld [smem:$0x3FB1]  }
0x2f: {  	lr =	sadd.s32 s0, s3;
	s0 =	sld [smem:$0x3FA8]  }
0x30: {  	s3 =	sld [smem:$0x3FAB]  }
0x31: {  	[smem:$0x3FB4] =	sst s10  }
0x32: {  	s10 =	sld [smem:$0x3FB2];
	_ =	sdelay $0x3  }
0x33: {  	p0 =	seq.s32 s10, $0x1;
	s10 =	sld [smem:$0x3FB4];
	_ =	sdelay $0x3  }
0x34: {  	[smem:$0x3FB4] =	sst s10  }
0x35: {  	s10 =	sld [smem:$0x3FB3];
	_ =	sdelay $0x3  }
0x36: {  	p1 =	seq.s32 s10, $0x1;
	s10 =	sld [smem:$0x3FB4];
	_ =	sdelay $0x3  }
0x37: {  	[smem:$0x3FB4] =	sst s10  }
0x38: {  	s10 =	sld [smem:$0x3FB5]  }
0x39: {  	_ = 	snop;
	(pc) =	sbr.ind lr, $3  }
0x3a: {  	_ = 	snop  }
0x3b: {  	_ = 	snop  }
0x3c: {  	p2 =	seq.s32 s10, $0x1;
	s10 =	sld [smem:$0x3FB4]  }
0x3d: {  	_ =	shalt  }
0x3e: {  	_ =	shalt  }
0x3f: {  	_ =	shalt  }
0x40: {  	_ =	shalt  }
0x41: {  	_ =	shalt  }
0x42: {  	_ =	shalt  }
0x43: {  	_ =	shalt  }
0x44: {  	_ =	shalt  }
0x45: {  	_ =	shalt  }
0x46: {  	_ =	shalt  }
0x47: {  	_ =	shalt  }
0x48: {  	_ =	shalt  }
0x49: {  	_ =	shalt  }
0x4a: {  	_ =	shalt  }
0x4b: {  	_ =	shalt  }
0x4c: {  	_ =	shalt  }
0x4d: {  	_ =	shalt  }
0x4e: {  	_ =	shalt  }
0x4f: {  	_ =	shalt  }
0x50: {  	_ =	shalt  }
0x51: {  	_ =	shalt  }
0x52: {  	_ =	shalt  }
0x53: {  	_ =	shalt  }
0x54: {  	_ =	shalt  }
0x55: {  	_ =	shalt  }
0x56: {  	_ =	shalt  }
0x57: {  	_ =	shalt  }
0x58: {  	_ =	shalt  }
0x59: {  	_ =	shalt  }
0x5a: {  	_ =	shalt  }
0x5b: {  	_ =	shalt  }
0x5c: {  	_ =	shalt  }
0x5d: {  	_ =	shalt  }
0x5e: {  	_ =	shalt  }
0x5f: {  	_ =	shalt  }
0x60: {  	_ =	shalt  }
0x61: {  	_ =	shalt  }
0x62: {  	_ =	shalt  }
0x63: {  	_ =	shalt  }
0x64: {  	_ =	shalt  }
0x65: {  	_ =	shalt  }
0x66: {  	_ =	shalt  }
0x67: {  	_ =	shalt  }
0x68: {  	_ =	shalt  }
0x69: {  	_ =	shalt  }
0x6a: {  	_ =	shalt  }
0x6b: {  	_ =	shalt  }
0x6c: {  	_ =	shalt  }
0x6d: {  	_ =	shalt  }
0x6e: {  	_ =	shalt  }
0x6f: {  	_ =	shalt  }
0x70: {  	_ =	shalt  }
0x71: {  	_ =	shalt  }
0x72: {  	_ =	shalt  }
0x73: {  	_ =	shalt  }
0x74: {  	_ =	shalt  }
0x75: {  	_ =	shalt  }
0x76: {  	_ =	shalt  }
0x77: {  	_ =	shalt  }
0x78: {  	_ =	shalt  }
0x79: {  	_ =	shalt  }
0x7a: {  	_ =	shalt  }
0x7b: {  	_ =	shalt  }
0x7c: {  	_ =	shalt  }
0x7d: {  	_ =	shalt  }
0x7e: {  	_ =	shalt  }
0x7f: {  	_ =	shalt  }
0x80: {  	_ =	shalt  }
0x81: {  	_ =	shalt  }
0x82: {  	_ =	shalt  }
0x83: {  	_ =	shalt  }
0x84: {  	_ =	shalt  }
0x85: {  	_ =	shalt  }
0x86: {  	_ =	shalt  }
0x87: {  	_ =	shalt  }
.Lfunc_end0:
.L_simem_size_0:
called_computation.1_lowered:
.L_overlay_start_0:
0x88: {  	s2 =	sld [smem:$0x3FD9]  }
0x89: {  	s3 =	sld [smem:$0x3FFE];
	_ =	sdelay $0x1  }
0x8a: {  	s1 =	srdreg.scid  }
0x8b: {  	s0 =	sand.u32 $0x1, s1  }
0x8c: {  	s17 =	sshll.u32 s0, $0xA;
	s2 =	sadd.s32 s3, s2  }
0x8d: {  	s2 =	sadd.s32 s2, s17  }
0x8e: {  	[smem:$0x3FC0] =	sst s2  }
0x8f: {  	_ = 	snop  }
0x90: {  	(tm) =	ssettm $0x1  }
0x91: {  	s18 =	sld [smem:$0x3FFB];
	_ =	sdelay $0x3  }
0x92: {  	_ =	strace s18  }
0x93: {  	s2 =	sld [smem:$0x3FFC];
	_ =	sdelay $0x3  }
0x94: {  	_ =	strace s2  }
0x95: {  	s2 =	sld [smem:$0x3FFD];
	_ =	sdelay $0x3  }
0x96: {  	_ =	strace s2  }
0x97: {  	_ =	strace $0x8FFFFFFF  }
0x98: {  	s19 =	sld [smem:$0x3FDB];
	_ =	sdelay $0x1  }
0x99: {  	s20 =	simm.s32 $_scs_section_size  }
0x9a: {  	s4 =	simm.s32 $_size__tile_overlayer_lowered;
	s5 =	simm.s32 $_tile_overlayer_lowered  }
0x9b: {  	s6 =	simm.s32 $0x1BFF;
	s21 =	sshll.u32 s5, $0x1;
	s3 =	sadd.s32 s20, s19  }
0x9c: {  	s22 =	simm.s32 $0x0;
	s4 =	sshll.u32 s4, $0x1;
	s5 =	sadd.s32 s21, s3  }
0x9d: {  	[timem:s22], [sflag:s6] =	dma.local [hbm:s5], s4  }
0x9e: {  	_ =	swait.ge [sflag:s6], s4  }
0x9f: {  	s4 =	ssub.s32 $0x0, s4;
	[sflag:s6] =	ssyncset.done $0x0  }
0xa0: {  	[sflag:s6] =	ssyncadd.s32 s4;
	_ =	sdelay $0x1  }
0xa1: {  	s23 =	simm.s32 $0x1B8B  }
0xa2: {  	_ =	swait.ge [sflag:s23], $0x1  }
0xa3: {  	[sflag:s23] =	ssyncset.done $0x0  }
0xa4: {  	[sflag:s23] =	ssyncadd.s32 $0xFFFFFFFF  }
0xa5: {  	s4 =	sld [smem:$0x0]  }
0xa6: {  	s5 =	sand.u32 $0xFFFFFFFE, s1  }
0xa7: {  	p0 =	sne.s32 s1, s5  }
0xa8: {  	s5 =	sshll.u32 @p0 s5, $0xE  }
0xa9: {  	s5 =	sadd.s32 @p0 $0x11B8D, s5;
	s6 =	sshll.u32 @p0 s4, $0x11  }
0xaa: {  	s5 =	sor.u32 @p0 s6, s5  }
0xab: {  	[sflag:s5] =	ssyncadd.remote.s32 @p0 $0x1;
	_ =	sdelay $0x1  }
0xac: {  	s5 =	simm.s32 @p0 $0x1B8D  }
0xad: {  	_ =	swait.eq @p0 [sflag:s5], $0x1  }
0xae: {  	[sflag:s5] =	ssyncadd.s32 @p0 $0xFFFFFFFF  }
0xaf: {  	s6 =	sshll.u32 @!p0 s1, $0xE  }
0xb0: {  	s6 =	sor.u32 @!p0 $0x4000, s6;
	s5 =	simm.s32 @!p0 $0x1B8D  }
0xb1: {  	s4 =	sshll.u32 @!p0 s4, $0x11;
	s6 =	sadd.s32 @!p0 $0x11B8D, s6;
	_ =	swait.eq @!p0 [sflag:s5], $0x1  }
0xb2: {  	s4 =	sor.u32 @!p0 s4, s6;
	[sflag:s5] =	ssyncadd.s32 @!p0 $0xFFFFFFFF  }
0xb3: {  	s25 =	simm.s32 $0x1B8E;
	s24 =	sld [smem:$0x3FFE];
	[sflag:s4] =	ssyncadd.remote.s32 @!p0 $0x1  }
0xb4: {  	s26 =	simm.s32 $execute0_lowered;
	[smem:$0x3FD2] =	sst s25  }
0xb5: {  	s5 =	sshll.u32 s26, $0x1;
	_ =	strace $0x80000049;
	[dreg:$0x1] =	wrdreg $0xFFFFFFFF  }
0xb6: {  	s28 =	simm.s32 $_size_execute0_lowered;
	s3 =	sadd.s32 s3, s5;
	[dreg:$0x0] =	wrdreg $0x0  }
0xb7: {  	s5 =	sshll.u32 s28, $0x1;
	[dreg:$0x2] =	wrdreg s3  }
0xb8: {  	[dreg:$0x3] =	wrdreg s5  }
0xb9: {  	[dreg:$0x4] =	wrdreg $0xC0  }
0xba: {  	_ =	task [dreg:s22], $0x5FFFF  }
0xbb: {  	[dreg:$0x1] =	wrdreg $0xFFFFFFFF  }
0xbc: {  	[dreg:$0x0] =	wrdreg $0x60  }
0xbd: {  	[dreg:$0x2] =	wrdreg s24  }
0xbe: {  	[dreg:$0x3] =	wrdreg $0x2F800  }
0xbf: {  	[dreg:$0x4] =	wrdreg $0xA  }
0xc0: {  	_ =	task.clear_ibuf [dreg:s22], $0x5FFFF;
	_ =	strace $0x90000049  }
0xc1: {  	s29 =	simm.s32 $0xA;
	_ =	strace $0x8000004B  }
0xc2: {  	_ =	swait.ge [sflag:s29], $0x1  }
0xc3: {  	[sflag:s29] =	ssyncadd.s32 $0xFFFFFFFF  }
0xc4: {  	_ =	strace $0x9000004B  }
0xc5: {  	_ =	sfence  }
0xc6: {  	s30 =	sld [smem:$0x0];
	_ =	sdelay $0x2  }
0xc7: {  	s31 =	sshll.u32 s1, $0xD;
	s1 =	sshrl.u32 s1, $0x2  }
0xc8: {  	s4 =	sand.u32 $0x4000, s31;
	s1 =	sadd.s32 s1, s30  }
0xc9: {  	s0 =	sor.u32 s4, s0;
	s1 =	sshll.u32 s1, $0x11  }
0xca: {  	s0 =	sor.u32 s1, s0  }
0xcb: {  	s0 =	sadd.s32 $0x8F2B, s0  }
0xcc: {  	[sflag:s0] =	ssyncadd.remote.s32 $0x1  }
0xcd: {  	_ =	sfence.sel $0xFFFF  }
0xce: {  	[dreg:$0x0] =	wrdreg $0xFFFFFFFF;
	(pc) =	sbr.abs _section_cstart, $3  }
0xcf: {  	[dreg:$0x1] =	wrdreg $0xFFFFFFFF  }
0xd0: {  	_ =	task.clear_ibuf [dreg:s22], $0x2FFFF;
	_ =	strace $0x9FFFFFFF  }
0xd1: {  	(tm) =	ssettm $0x7FFFFFFF  }
tec
execute0_lowered:
.L_overlay_start_1:
0x0: {  	(tag) =	ssettag $0x1  }
0x1: {  	s1 =	srdreg.scid  }
0x2: {  	s0 =	stileid.u32;
	s12 =	simm.s32 $0x1;
	s7 =	rddreg [dreg:$0x0]  }
0x3: {  	s2 =	rddreg [dreg:$0x1];
	s15 =	simm.s32 $0x80;
	s16 =	simm.s32 $0x0  }
0x4: {  	s6 =	sand.u32 $0x1, s1;
	s29 =	sshll.u32 s0, $0x1;
	p0 =	sgt.u32 s0, $0x1  }
0x5: {  	s8 =	smul.u32 $0x2800, s0;
	s31 =	sshll.u32 s0, $0x6;
	s1 =	sor.u32 s6, s29  }
0x6: {  	s12 =	simm.s32 @!p0 $0x0;
	s9 =	smul.u32 $0x28000, s6;
	s11 =	ssub.s32 $0x2, s6  }
0x7: {  	s6 =	sadd.s32 $0x3F200, s7;
	s3 =	smul.u32 $0x4E, s1;
	s1 =	smin.u32 s1, $0x4  }
0x8: {  	s13 =	sshrl.u32 s11, $0x1;
	s30 =	sadd.s32 s8, s2;
	s1 =	ssub.s32 s1, s12  }
0x9: {  	s9 =	sadd.s32 s8, s9;
	s11 =	ssub.s32 s11, s13;
	s8 =	sor.u32 $0x1C01, s31  }
0xa: {  	s12 =	sshll.u32 s12, $0x7;
	s13 =	sshrl.u32 s30, $0x3;
	s3 =	sadd.s32 s3, s1  }
0xb: {  	s1 =	rddreg [dreg:$0x2];
	s9 =	sshrl.u32 s9, $0x3;
	s4 =	sshll.u32 s3, $0x7  }
0xc: {  	s11 =	smax.u32 s11, $0x1;
	s3 =	simm.s32 $0x0;
	s4 =	sadd.s32 $0x4E200, s4  }
0xd: {  	s14 =	sadd.s32 s9, s7;
	[smem:$0x7FF] =	sst s3;
	s5 =	sshrl.u32 s4, $0x3  }
0xe: {  	s10 =	sadd.s32 s5, s7;
	s5 =	sadd.s32 $0x3EC00, s7;
	s7 =	simm.s32 $0x4E  }
0xf: {  	_ =	strace $0x8000004A;
	s4 =	simm.s32 $0x1;
	s7 =	simm.s32 @!p0 $0x4F  }
0x10: {  	s9 =	sadd.s32 $0x1E00, s10;
	s10 =	sadd.s32 $0x3F400, s14;
	s14 =	simm.s32 $0x2780  }
.LBB2_1:
0x11: {  	[spmem:s13], [sflag:s8] =	dma.local [hbm:s5], $0x500  }
0x12: {  	_ =	swait.ge [sflag:s4], $0x500  }
0x13: {  	[sflag:s4] =	ssyncset.done $0x0  }
0x14: {  	[sflag:s4] =	ssyncadd.s32 $0xFFFFFB00  }
0x15: {  	[tilespmem:s14], [sflag:$0x1] =	stream.linear.gather [hbm4b:s6+s3], $0x800, $0x38;
	[tilespmem:$0x5780] =	vst v63  }
0x16: {  	_ =	swait.ge [sflag:s4], $0x800  }
0x17: {  	[sflag:s4] =	ssyncset.done $0x0  }
0x18: {  	[sflag:s4] =	ssyncadd.s32 $0xFFFFF800  }
0x19: {  	[tilespmem:s3], [sflag:$0x1] =	stream.linear.gather [hbm4b:s9+s3], $0x2780, $0x38;
	[tilespmem:$0x5780] =	vst v63  }
0x1a: {  	_ =	swait.ge [sflag:s4], $0x2780  }
0x1b: {  	p0 =	sne.s32 s7, $0x1;
	[sflag:s4] =	ssyncset.done $0x0  }
.Ltmp0:
0x1c: {  	[sflag:s4] =	ssyncadd.s32 $0xFFFFD880;
	(pc) =	sbr.rel @!p0 .LBB2_3-.Ltmp0, $4  }
0x1d: {  	[bflag:$0x0] =	sbarrier.arrive $0xFFFF  }
0x1e: {  	[spmem:s2] =	stream.indirect.scatter.add.f32 [tilespmem:s14], [sflag:$0x1], $0x10, s12, s15, $0xb8;
	[tilespmem:$0x5780] =	vst v63  }
0x1f: {  	_ =	swait.ge [sflag:s4], $0x800  }
0x20: {  	s17 =	sadd.s32 $0xFFFFFFFF, s7;
	s18 =	smov.u32 s12;
	[sflag:s4] =	ssyncset.done $0x0  }
.LBB2_2:
0x21: {  	p0 =	sne.s32 s17, $0x1;
	[sflag:s4] =	ssyncadd.s32 $0xFFFFF800;
	s18 =	sadd.s32 $0x80, s18  }
.Ltmp1:
0x22: {  	s17 =	sadd.s32 $0xFFFFFFFF, s17;
	(pc) =	sbr.rel @p0 .LBB2_2-.Ltmp1, $4  }
0x23: {  	_ = 	snop  }
0x24: {  	[spmem:s2] =	stream.indirect.scatter.add.f32 [tilespmem:s14], [sflag:$0x1], $0x10, s18, s15, $0xb8;
	[tilespmem:$0x5780] =	vst v63  }
0x25: {  	_ =	swait.ge [sflag:s4], $0x800  }
0x26: {  	[sflag:s4] =	ssyncset.done $0x0  }
.LBB2_3:
0x27: {  	s16 =	sadd.s32 $0x1, s16  }
0x28: {  	[sflag:s4] =	ssyncadd.s32 $0xFFFFF800;
	p0 =	sne.s32 s16, s11  }
.Ltmp2:
0x29: {  	[bflag:$0x0] =	sbarrier.arrive $0xFFFF;
	(pc) =	sbr.rel @p0 .LBB2_1-.Ltmp2, $4  }
0x2a: {  	[hbm:s10], [sflag:s8] =	dma.local [spmem:s13], $0x500  }
0x2b: {  	_ =	swait.ge [sflag:s4], $0x500  }
0x2c: {  	[sflag:s4] =	ssyncset.done $0x0  }
0x2d: {  	[sflag:s4] =	ssyncadd.s32 $0xFFFFFB00  }
0x2e: {  	_ =	sfence.sel $0x180000  }
0x2f: {  	[bflag:$0x0] =	sbarrier.arrive $0xFFFF  }
0x30: {  	p0 =	sne.s32 s0, $0x0;
	_ =	strace $0x9000004A  }
0x31: {  	s0 =	sadd.s32 @!p0 $0x100000, s1;
	[bflag:$0x2] =	sbarrier.arrive $0xFFFF  }
0x32: {  	[sflag:s0] =	ssyncadd.tile.s32 @!p0 $0x1;
	_ =	shalt  }
.Lfunc_end2:
_tile_overlayer_lowered:
.L_overlay_start_2:
0x33: {  	(tag) =	ssettag $0x2  }
0x34: {  	s0 =	rddreg [dreg:$0x0];
	s2 =	stileid.u32  }
0x35: {  	s1 =	rddreg [dreg:$0x1];
	p0 =	sne.s32 s2, $0x0  }
0x36: {  	s3 =	rddreg [dreg:$0x2];
	[bflag:$0x3] =	sbarrier.arrive $0xFFFF;
	s2 =	simm.s32 @!p0 $0x1C01  }
0x37: {  	[timem:s3], [sflag:s2] =	dma.local @!p0 [hbm:s0], s1  }
0x38: {  	s0 =	simm.s32 @!p0 $0x1  }
0x39: {  	_ =	swait.ge @!p0 [sflag:s0], s1  }
0x3a: {  	s1 =	ssub.s32 @!p0 $0x0, s1;
	[sflag:s0] =	ssyncset.done @!p0 $0x0  }
0x3b: {  	[sflag:s0] =	ssyncadd.s32 @!p0 s1  }
0x3c: {  	[bflag:$0x3] =	sbarrier.arrive $0xFFFF  }
0x3d: {  	_ =	shalt  }

// kernel: kernel.14.cloned.1.call-start
scs
__scs_entry_jumppad:
0x0: {  	(pc) =	sbr.rel $0x88, $3  }
0x1: {  	(tag) =	ssettag $0x0;
	lr =	simm.s32 $0x1  }
0x2: {  	[smem:$0x3F99] =	sst lr;
	_ =	strace $0xD0000000  }
0x3: {  	_ = 	snop  }
0x4: {  	_ = 	snop  }
0x5: {  	_ = 	snop  }
0x6: {  	_ = 	snop  }
0x7: {  	_ = 	snop  }
__scs_overlays_trampoline_lowered:
0x8: {  	[smem:$0x3FA8] =	sst s0  }
0x9: {  	[smem:$0x3FA9] =	sst s1  }
0xa: {  	[smem:$0x3FAA] =	sst s2  }
0xb: {  	[smem:$0x3FAB] =	sst s3  }
0xc: {  	[smem:$0x3FAC] =	sst s4  }
0xd: {  	[smem:$0x3FAD] =	sst s5  }
0xe: {  	[smem:$0x3FAE] =	sst s6  }
0xf: {  	[smem:$0x3FAF] =	sst s7  }
0x10: {  	[smem:$0x3FB0] =	sst s8  }
0x11: {  	[smem:$0x3FB1] =	sst s9;
	s0 =	simm.s32 @!p0 $0x0  }
0x12: {  	s1 =	sld [smem:$0x3F97];
	s0 =	simm.s32 @p0 $0x1  }
0x13: {  	[smem:$0x3FB2] =	sst s0;
	s0 =	simm.s32 @!p1 $0x0  }
0x14: {  	s2 =	sld [smem:$0x3F96];
	s0 =	simm.s32 @p1 $0x1  }
0x15: {  	[smem:$0x3FB3] =	sst s0;
	s0 =	simm.s32 @!p2 $0x0  }
0x16: {  	s3 =	sld [smem:$0x3FDB];
	s0 =	simm.s32 @p2 $0x1  }
0x17: {  	s4 =	simm.s32 $0x1BF5;
	[smem:$0x3FB5] =	sst s0  }
0x18: {  	s0 =	sld [smem:$0x3F98];
	_ =	swait.ge [sflag:s4], $0x0  }
0x19: {  	s7 =	sld [smem:$0x3F99]  }
0x1a: {  	s8 =	sadd.s32 $0xFFFFE003, lr  }
0x1b: {  	s9 =	sadd.s32 $0xFFFFFEF7, lr;
	s5 =	simm.s32 $0xFFFFFFFF;
	p2 =	slt.u32 s8, $0xFFFFF086  }
0x1c: {  	p1 =	slt.u32 s9, $0xF7A;
	s5 =	simm.s32 @!p2 $0x0  }
0x1d: {  	s5 =	simm.s32 @p1 $0x1;
	p0 =	seq.s32 s7, s2  }
0x1e: {  	s7 =	smul.u32 @!p0 $0xF7A, s2;
	p2 =	seq.s32 @!p0 s5, $0x0  }
0x1f: {  	s9 =	smul.u32 $0xF7A, s1;
	s8 =	simm.s32 @!p0 $0x1BF5;
	p2 =	por !p2, p0  }
0x20: {  	[sflag:s8] =	ssyncset.s32 @!p0 $0xFFFFF086;
	s6 =	sadd.s32 @!p0 s3, s7;
	s7 =	simm.s32 @!p0 $0x108  }
0x21: {  	s3 =	sadd.s32 s3, s9;
	s6 =	sadd.s32 @!p0 $0x88, s6;
	s7 =	simm.s32 @p2 $0x1082  }
0x22: {  	[simem:s7], [sflag:s8] =	dma.local @!p0 [hbm:s6], $0xF7A  }
0x23: {  	s9 =	sor.u32 $0xD0000000, s2;
	s6 =	simm.s32 $0x108;
	_ =	swait.ge @!p0 [sflag:s8], $0x0  }
0x24: {  	s3 =	sadd.s32 $0x88, s3;
	s6 =	simm.s32 @!p1 $0x1082;
	[sflag:s4] =	ssyncset.s32 $0xFFFFF086  }
0x25: {  	[simem:s6], [sflag:s4] =	dma.local [hbm:s3], $0xF7A  }
0x26: {  	[smem:$0x3F99] =	sst s1;
	(tag) =	ssettag s2;
	_ =	strace s9  }
0x27: {  	s1 =	sld [smem:$0x3FA9]  }
0x28: {  	s2 =	sld [smem:$0x3FAA]  }
0x29: {  	s4 =	sld [smem:$0x3FAC]  }
0x2a: {  	p0 =	seq.s32 s5, $0x0;
	s5 =	sld [smem:$0x3FAD]  }
0x2b: {  	s6 =	sld [smem:$0x3FAE]  }
0x2c: {  	s7 =	sld [smem:$0x3FAF]  }
0x2d: {  	s3 =	simm.s32 $0x108;
	s8 =	sld [smem:$0x3FB0]  }
0x2e: {  	s3 =	simm.s32 @!p0 $0x1082;
	s9 =	sld [smem:$0x3FB1]  }
0x2f: {  	lr =	sadd.s32 s0, s3;
	s0 =	sld [smem:$0x3FA8]  }
0x30: {  	s3 =	sld [smem:$0x3FAB]  }
0x31: {  	[smem:$0x3FB4] =	sst s10  }
0x32: {  	s10 =	sld [smem:$0x3FB2];
	_ =	sdelay $0x3  }
0x33: {  	p0 =	seq.s32 s10, $0x1;
	s10 =	sld [smem:$0x3FB4];
	_ =	sdelay $0x3  }
0x34: {  	[smem:$0x3FB4] =	sst s10  }
0x35: {  	s10 =	sld [smem:$0x3FB3];
	_ =	sdelay $0x3  }
0x36: {  	p1 =	seq.s32 s10, $0x1;
	s10 =	sld [smem:$0x3FB4];
	_ =	sdelay $0x3  }
0x37: {  	[smem:$0x3FB4] =	sst s10  }
0x38: {  	s10 =	sld [smem:$0x3FB5]  }
0x39: {  	_ = 	snop;
	(pc) =	sbr.ind lr, $3  }
0x3a: {  	_ = 	snop  }
0x3b: {  	_ = 	snop  }
0x3c: {  	p2 =	seq.s32 s10, $0x1;
	s10 =	sld [smem:$0x3FB4]  }
0x3d: {  	_ =	shalt  }
0x3e: {  	_ =	shalt  }
0x3f: {  	_ =	shalt  }
0x40: {  	_ =	shalt  }
0x41: {  	_ =	shalt  }
0x42: {  	_ =	shalt  }
0x43: {  	_ =	shalt  }
0x44: {  	_ =	shalt  }
0x45: {  	_ =	shalt  }
0x46: {  	_ =	shalt  }
0x47: {  	_ =	shalt  }
0x48: {  	_ =	shalt  }
0x49: {  	_ =	shalt  }
0x4a: {  	_ =	shalt  }
0x4b: {  	_ =	shalt  }
0x4c: {  	_ =	shalt  }
0x4d: {  	_ =	shalt  }
0x4e: {  	_ =	shalt  }
0x4f: {  	_ =	shalt  }
0x50: {  	_ =	shalt  }
0x51: {  	_ =	shalt  }
0x52: {  	_ =	shalt  }
0x53: {  	_ =	shalt  }
0x54: {  	_ =	shalt  }
0x55: {  	_ =	shalt  }
0x56: {  	_ =	shalt  }
0x57: {  	_ =	shalt  }
0x58: {  	_ =	shalt  }
0x59: {  	_ =	shalt  }
0x5a: {  	_ =	shalt  }
0x5b: {  	_ =	shalt  }
0x5c: {  	_ =	shalt  }
0x5d: {  	_ =	shalt  }
0x5e: {  	_ =	shalt  }
0x5f: {  	_ =	shalt  }
0x60: {  	_ =	shalt  }
0x61: {  	_ =	shalt  }
0x62: {  	_ =	shalt  }
0x63: {  	_ =	shalt  }
0x64: {  	_ =	shalt  }
0x65: {  	_ =	shalt  }
0x66: {  	_ =	shalt  }
0x67: {  	_ =	shalt  }
0x68: {  	_ =	shalt  }
0x69: {  	_ =	shalt  }
0x6a: {  	_ =	shalt  }
0x6b: {  	_ =	shalt  }
0x6c: {  	_ =	shalt  }
0x6d: {  	_ =	shalt  }
0x6e: {  	_ =	shalt  }
0x6f: {  	_ =	shalt  }
0x70: {  	_ =	shalt  }
0x71: {  	_ =	shalt  }
0x72: {  	_ =	shalt  }
0x73: {  	_ =	shalt  }
0x74: {  	_ =	shalt  }
0x75: {  	_ =	shalt  }
0x76: {  	_ =	shalt  }
0x77: {  	_ =	shalt  }
0x78: {  	_ =	shalt  }
0x79: {  	_ =	shalt  }
0x7a: {  	_ =	shalt  }
0x7b: {  	_ =	shalt  }
0x7c: {  	_ =	shalt  }
0x7d: {  	_ =	shalt  }
0x7e: {  	_ =	shalt  }
0x7f: {  	_ =	shalt  }
0x80: {  	_ =	shalt  }
0x81: {  	_ =	shalt  }
0x82: {  	_ =	shalt  }
0x83: {  	_ =	shalt  }
0x84: {  	_ =	shalt  }
0x85: {  	_ =	shalt  }
0x86: {  	_ =	shalt  }
0x87: {  	_ =	shalt  }
.Lfunc_end0:
.L_simem_size_0:
called_computation.2_lowered:
.L_overlay_start_0:
0x88: {  	s2 =	sld [smem:$0x3FD9]  }
0x89: {  	s3 =	sld [smem:$0x3FFE];
	_ =	sdelay $0x1  }
0x8a: {  	s1 =	srdreg.scid  }
0x8b: {  	s0 =	sand.u32 $0x1, s1  }
0x8c: {  	s17 =	sshll.u32 s0, $0xA;
	s2 =	sadd.s32 s3, s2  }
0x8d: {  	s2 =	sadd.s32 s2, s17  }
0x8e: {  	[smem:$0x3FC0] =	sst s2  }
0x8f: {  	_ = 	snop  }
0x90: {  	s2 =	sld [smem:$0x3FD0];
	(tm) =	ssettm $0x1  }
0x91: {  	s18 =	sld [smem:$0x3FFB];
	_ =	sdelay $0x3  }
0x92: {  	_ =	strace s18  }
0x93: {  	s3 =	sld [smem:$0x3FFC];
	_ =	sdelay $0x3  }
0x94: {  	_ =	strace s3  }
0x95: {  	s3 =	sld [smem:$0x3FFD];
	_ =	sdelay $0x3  }
0x96: {  	_ =	strace s3  }
0x97: {  	_ =	strace $0x8FFFFFFF  }
0x98: {  	s19 =	sld [smem:$0x3FDB];
	_ =	sdelay $0x1  }
0x99: {  	s4 =	simm.s32 $_scs_section_size  }
0x9a: {  	s5 =	simm.s32 $_size__tile_overlayer_lowered;
	s6 =	simm.s32 $_tile_overlayer_lowered  }
0x9b: {  	s22 =	simm.s32 $0x1BFF;
	s21 =	sshll.u32 s6, $0x1;
	s3 =	sadd.s32 s4, s19  }
0x9c: {  	s7 =	simm.s32 $0x0;
	s20 =	sshll.u32 s5, $0x1;
	s5 =	sadd.s32 s21, s3  }
0x9d: {  	[timem:s7], [sflag:s22] =	dma.local [hbm:s5], s20  }
0x9e: {  	_ =	swait.ge [sflag:s22], s20  }
0x9f: {  	s4 =	ssub.s32 $0x0, s20;
	[sflag:s22] =	ssyncset.done $0x0  }
0xa0: {  	[sflag:s22] =	ssyncadd.s32 s4;
	_ =	sdelay $0x1  }
0xa1: {  	s23 =	simm.s32 $0x1B8B  }
0xa2: {  	_ =	swait.ge [sflag:s23], $0x1  }
0xa3: {  	[sflag:s23] =	ssyncset.done $0x0  }
0xa4: {  	s25 =	simm.s32 $0x1B8E;
	s24 =	sld [smem:$0x3FFE];
	[sflag:s23] =	ssyncadd.s32 $0xFFFFFFFF  }
0xa5: {  	s26 =	simm.s32 $execute0_lowered;
	[smem:$0x3FD2] =	sst s25  }
0xa6: {  	s5 =	sshll.u32 s26, $0x1;
	_ =	strace $0x8000004C;
	[dreg:$0x1] =	wrdreg $0xFFFFFFFF  }
0xa7: {  	s28 =	simm.s32 $_size_execute0_lowered;
	s3 =	sadd.s32 s3, s5;
	[dreg:$0x0] =	wrdreg $0x0  }
0xa8: {  	s5 =	sshll.u32 s28, $0x1;
	[dreg:$0x2] =	wrdreg s3  }
0xa9: {  	[dreg:$0x3] =	wrdreg s5  }
0xaa: {  	[dreg:$0x4] =	wrdreg $0xC0  }
0xab: {  	_ =	task [dreg:s7], $0x5FFFF  }
0xac: {  	[dreg:$0x1] =	wrdreg $0xFFFFFFFF  }
0xad: {  	[dreg:$0x0] =	wrdreg $0x60  }
0xae: {  	[dreg:$0x2] =	wrdreg s2  }
0xaf: {  	[dreg:$0x3] =	wrdreg s24  }
0xb0: {  	[dreg:$0x4] =	wrdreg $0x7F000  }
0xb1: {  	[dreg:$0x5] =	wrdreg $0x9  }
0xb2: {  	_ =	task.clear_ibuf [dreg:s7], $0x6FFFF;
	_ =	strace $0x9000004C  }
0xb3: {  	s29 =	simm.s32 $0x9;
	_ =	strace $0x8000004E  }
0xb4: {  	_ =	swait.ge [sflag:s29], $0x1  }
0xb5: {  	[sflag:s29] =	ssyncadd.s32 $0xFFFFFFFF  }
0xb6: {  	_ =	strace $0x9000004E  }
0xb7: {  	_ =	sfence  }
0xb8: {  	s30 =	sld [smem:$0x0];
	_ =	sdelay $0x2  }
0xb9: {  	s31 =	sshll.u32 s1, $0xD;
	s1 =	sshrl.u32 s1, $0x2  }
0xba: {  	s3 =	sand.u32 $0x4000, s31;
	s1 =	sadd.s32 s1, s30  }
0xbb: {  	s0 =	sor.u32 s3, s0;
	s1 =	sshll.u32 s1, $0x11  }
0xbc: {  	s0 =	sor.u32 s1, s0  }
0xbd: {  	s0 =	sadd.s32 $0x8F2B, s0  }
0xbe: {  	[sflag:s0] =	ssyncadd.remote.s32 $0x1  }
0xbf: {  	_ =	sfence.sel $0xFFFF  }
0xc0: {  	[dreg:$0x0] =	wrdreg $0xFFFFFFFF;
	(pc) =	sbr.abs _section_cstart, $3  }
0xc1: {  	[dreg:$0x1] =	wrdreg $0xFFFFFFFF  }
0xc2: {  	_ =	task.clear_ibuf [dreg:s7], $0x2FFFF;
	_ =	strace $0x9FFFFFFF  }
0xc3: {  	(tm) =	ssettm $0x7FFFFFFF  }
tec
execute0_lowered:
.L_overlay_start_1:
0x0: {  	(tag) =	ssettag $0x1  }
0x1: {  	s1 =	rddreg [dreg:$0x0]  }
0x2: {  	s6 =	rddreg [dreg:$0x1]  }
0x3: {  	s2 =	srdreg.scid;
	s0 =	stileid.u32  }
0x4: {  	s3 =	rddreg [dreg:$0x2];
	s4 =	simm.s32 $0x0;
	s17 =	simm.s32 $0x3  }
0x5: {  	s18 =	simm.s32 $0x2780;
	s19 =	simm.s32 $0x4F00;
	s20 =	simm.s32 $0x2  }
0x6: {  	s21 =	simm.s32 $0x0;
	s7 =	sand.u32 $0x1, s2;
	s2 =	rddreg [dreg:$0x3]  }
0x7: {  	s9 =	smul.u32 $0x5000, s0;
	[smem:$0x7FF] =	sst s4;
	s11 =	sadd.s32 $0x1E00, s6  }
0x8: {  	s10 =	sshll.u32 s0, $0x1;
	p0 =	sgt.u32 s0, $0x1;
	s5 =	smul.u32 $0x50000, s7  }
0x9: {  	s28 =	sshll.u32 s0, $0x6;
	s25 =	ssub.s32 $0x2, s7;
	s7 =	sor.u32 s7, s10  }
0xa: {  	_ =	strace $0x8000004D;
	s10 =	smul.u32 $0x4E, s7;
	s8 =	sadd.s32 s9, s5  }
0xb: {  	s12 =	smin.u32 s7, $0x4;
	s13 =	sshrl.u32 s25, $0x1;
	s8 =	sshrl.u32 s8, $0x3  }
0xc: {  	s5 =	sadd.s32 $0x15800, s6;
	s14 =	sadd.s32 s8, s6;
	s6 =	simm.s32 $0x1  }
0xd: {  	s7 =	simm.s32 $0x4E;
	s16 =	sadd.s32 s9, s3;
	s6 =	simm.s32 @!p0 $0x0  }
0xe: {  	s15 =	ssub.s32 s25, s13;
	s7 =	simm.s32 @!p0 $0x4F;
	s12 =	ssub.s32 s12, s6  }
0xf: {  	s9 =	sor.u32 $0x1C03, s28;
	s13 =	simm.s32 $0x80;
	s10 =	sadd.s32 s10, s12  }
0x10: {  	s16 =	sshrl.u32 s16, $0x3;
	s13 =	simm.s32 @!p0 $0x0;
	s26 =	sshll.u32 s10, $0x7  }
0x11: {  	s15 =	smax.u32 s15, $0x1;
	s8 =	simm.s32 $0x1;
	s30 =	sadd.s32 $0x4E200, s26  }
0x12: {  	s14 =	sadd.s32 $0x16200, s14;
	s29 =	sshrl.u32 s26, $0x3;
	s31 =	sshrl.u32 s30, $0x3  }
0x13: {  	s12 =	simm.s32 $0x80;
	s10 =	sadd.s32 s11, s29;
	s11 =	sadd.s32 s11, s31  }
.LBB2_1:
0x14: {  	[spmem:s16], [sflag:s9] =	dma.local [hbm:s5], $0xA00  }
0x15: {  	_ =	swait.ge [sflag:s17], $0xA00  }
0x16: {  	[sflag:s17] =	ssyncset.done $0x0  }
0x17: {  	[sflag:s17] =	ssyncadd.s32 $0xFFFFF600  }
0x18: {  	[tilespmem:s4], [sflag:$0x3] =	stream.linear.gather [hbm4b:s10+s4], $0x2780, $0x38;
	[tilespmem:$0xCF00] =	vst v63  }
0x19: {  	_ =	swait.ge [sflag:s17], $0x2780  }
0x1a: {  	[sflag:s17] =	ssyncset.done $0x0  }
0x1b: {  	[sflag:s17] =	ssyncadd.s32 $0xFFFFD880  }
0x1c: {  	[tilespmem:s18], [sflag:$0x3] =	stream.linear.gather [hbm4b:s11+s4], $0x2780, $0x38;
	[tilespmem:$0xCF00] =	vst v63  }
0x1d: {  	_ =	swait.ge [sflag:s17], $0x2780  }
0x1e: {  	[sflag:s17] =	ssyncset.done $0x0  }
0x1f: {  	[sflag:s17] =	ssyncadd.s32 $0xFFFFD880  }
0x20: {  	p0 =	por $0x0, $0x0;
	s23 =	simm.s32 $0x0;
	[bflag:$0x0] =	sbarrier.arrive $0xFFFF  }
0x21: {  	[tilespmem:s19], [sflag:$0x1] =	stream.indirect.gather [hbm4b:s1+s12], $0x10, s13, s12, $0xb8;
	[tilespmem:$0xCF00] =	vst v63  }
.LBB2_2:
0x22: {  	s25 =	simm.s32 $0x1  }
0x23: {  	_ =	swait.ge [sflag:s8], $0x800;
	p1 =	slt.u32 s23, $0x2;
	s25 =	simm.s32 @!p0 $0x0  }
0x24: {  	s22 =	sadd.s32 $0x1, s23;
	[sflag:s8] =	ssyncset.done $0x0;
	s24 =	sshll.u32 s25, $0xB  }
0x25: {  	s26 =	simm.s32 @!p1 $0x2;
	[sflag:s8] =	ssyncadd.s32 $0xFFFFF800;
	s28 =	sadd.s32 $0x4F00, s24  }
0x26: {  	s31 =	simm.s32 $0x0;
	p2 =	sge.u32 s22, s7;
	_ =	swait.ge @!p1 [sflag:s26], $0x1000;
	v0 =	vmov s28  }
0x27: {  	s29 =	sadd.s32 @!p2 s6, s22;
	s24 =	sand.u32 $0x1, s23;
	[sflag:s26] =	ssyncset.done @!p1 $0x0  }
0x28: {  	s28 =	sshll.u32 @!p2 s29, $0x7;
	[sflag:s26] =	ssyncadd.s32 @!p1 $0xFFFFF000;
	s26 =	sshll.u32 @!p2 s24, $0xB  }
0x29: {  	s29 =	simm.s32 @!p2 $0x80;
	s28 =	sand.u32 @!p2 $0x3FFFFF80, s28;
	s26 =	ssub.s32 @!p2 $0x5700, s26  }
0x2a: {  	[tilespmem:s26], [sflag:$0x1] =	stream.indirect.gather @!p2 [hbm4b:s1+s29], $0x10, s28, s29, $0xb8;
	[tilespmem:$0xCF00] =	vst v63  }
0x2b: {  	v1 =	vld.idx.msk [tilespmem:v0+s31+$0x0 ss:$0x1], $0xffff;
	_ =	sdelay $0x3  }
0x2c: {  	s25 =	sshll.u32 s25, $0xC  }
0x2d: {  	s25 =	sadd.s32 $0x5F10, s25;
	v2 =	vshll.u32 v1, $0x10  }
0x2e: {  	v1 =	vand.u32 $0xFFFF0000, v1;
	[tilespmem:s25+$0xFFFFFFF0] =	vst v2  }
0x2f: {  	s28 =	simm.s32 $0x10;
	s26 =	simm.s32 $0x80;
	[tilespmem:s25+$0x0] =	vst v1  }
.LBB2_3:
0x30: {  	p1 =	sne.s32 s26, $0x1FC0;
	v1 =	vld.idx.msk [tilespmem:v0+s28+$0x0 ss:$0x1], $0xffff;
	_ =	sdelay $0x3  }
.Ltmp0:
0x31: {  	(pc) =	sbr.rel @p1 .LBB2_3-.Ltmp0, $4  }
0x32: {  	_ = 	snop  }
0x33: {  	s25 =	sadd.s32 $0x20, s25;
	v2 =	vshll.u32 v1, $0x10;
	v1 =	vand.u32 $0xFFFF0000, v1  }
0x34: {  	[tilespmem:s25+$0xFFFFFFF0] =	vst v2  }
0x35: {  	s28 =	sshra.s32 s26, $0x2;
	s26 =	sadd.s32 $0x40, s26;
	[tilespmem:s25+$0x0] =	vst v1  }
0x36: {  	_ =	sdelay $0x3  }
0x37: {  	v0 =	vld.idx.msk [tilespmem:v0+s28+$0x0 ss:$0x1], $0xffff;
	_ =	sdelay $0x3  }
0x38: {  	s23 =	sadd.s32 s6, s23;
	p1 =	sne.s32 s22, s7  }
.Ltmp1:
0x39: {  	s25 =	sadd.s32 $0x20, s25;
	s23 =	sshll.u32 s23, $0x9;
	v1 =	vshll.u32 v0, $0x10;
	(pc) =	sbr.rel @p1 .LBB2_2-.Ltmp1, $4  }
0x3a: {  	s24 =	sshll.u32 s24, $0xC;
	s23 =	sshra.s32 s23, $0x2;
	v0 =	vand.u32 $0xFFFF0000, v0;
	[tilespmem:s25+$0xFFFFFFF0] =	vst v1  }
0x3b: {  	s24 =	sadd.s32 $0x5F00, s24;
	s23 =	sadd.s32 $0x2780, s23;
	[tilespmem:s25+$0x0] =	vst v0  }
0x3c: {  	[spmem:s3] =	stream.indirect.scatter.add.f32 [tilespmem:s24], [sflag:$0x2], $0x20, s23, s12, $0xb8;
	[tilespmem:$0xCF00] =	vst v63  }
0x3d: {  	p0 =	por !p0, !p0;
	s23 =	smov.u32 s22  }
0x3e: {  	_ =	swait.ge [sflag:s20], $0x1000  }
0x3f: {  	[sflag:s20] =	ssyncset.done $0x0  }
0x40: {  	[sflag:s20] =	ssyncadd.s32 $0xFFFFF000  }
0x41: {  	_ =	swait.ge [sflag:s20], $0x1000  }
0x42: {  	s21 =	sadd.s32 $0x1, s21;
	[sflag:s20] =	ssyncset.done $0x0  }
0x43: {  	p0 =	sne.s32 s21, s15;
	[sflag:s20] =	ssyncadd.s32 $0xFFFFF000  }
.Ltmp2:
0x44: {  	[bflag:$0x0] =	sbarrier.arrive $0xFFFF;
	(pc) =	sbr.rel @p0 .LBB2_1-.Ltmp2, $4  }
0x45: {  	[hbm:s14], [sflag:s9] =	dma.local [spmem:s16], $0xA00  }
0x46: {  	_ =	swait.ge [sflag:s17], $0xA00  }
0x47: {  	[sflag:s17] =	ssyncset.done $0x0  }
0x48: {  	[sflag:s17] =	ssyncadd.s32 $0xFFFFF600  }
0x49: {  	_ =	sfence.sel $0x180000  }
0x4a: {  	[bflag:$0x0] =	sbarrier.arrive $0xFFFF  }
0x4b: {  	p0 =	sne.s32 s0, $0x0;
	_ =	strace $0x9000004D  }
0x4c: {  	s0 =	sadd.s32 @!p0 $0x100000, s2;
	[bflag:$0x2] =	sbarrier.arrive $0xFFFF  }
0x4d: {  	[sflag:s0] =	ssyncadd.tile.s32 @!p0 $0x1;
	_ =	shalt  }
.Lfunc_end2:
_tile_overlayer_lowered:
.L_overlay_start_2:
0x4e: {  	(tag) =	ssettag $0x2  }
0x4f: {  	s0 =	rddreg [dreg:$0x0];
	s2 =	stileid.u32  }
0x50: {  	s1 =	rddreg [dreg:$0x1];
	p0 =	sne.s32 s2, $0x0  }
0x51: {  	s3 =	rddreg [dreg:$0x2];
	[bflag:$0x3] =	sbarrier.arrive $0xFFFF;
	s2 =	simm.s32 @!p0 $0x1C03  }
0x52: {  	[timem:s3], [sflag:s2] =	dma.local @!p0 [hbm:s0], s1  }
0x53: {  	s0 =	simm.s32 @!p0 $0x3  }
0x54: {  	_ =	swait.ge @!p0 [sflag:s0], s1  }
0x55: {  	s1 =	ssub.s32 @!p0 $0x0, s1;
	[sflag:s0] =	ssyncset.done @!p0 $0x0  }
0x56: {  	[sflag:s0] =	ssyncadd.s32 @!p0 s1  }
0x57: {  	[bflag:$0x3] =	sbarrier.arrive $0xFFFF  }
0x58: {  	_ =	shalt  }

// kernel: kernel.8.cloned.1.call-start
scs
__scs_entry_jumppad:
0x0: {  	(pc) =	sbr.rel $0x88, $3  }
0x1: {  	(tag) =	ssettag $0x0;
	lr =	simm.s32 $0x1  }
0x2: {  	[smem:$0x3F99] =	sst lr;
	_ =	strace $0xD0000000  }
0x3: {  	_ = 	snop  }
0x4: {  	_ = 	snop  }
0x5: {  	_ = 	snop  }
0x6: {  	_ = 	snop  }
0x7: {  	_ = 	snop  }
__scs_overlays_trampoline_lowered:
0x8: {  	[smem:$0x3FA8] =	sst s0  }
0x9: {  	[smem:$0x3FA9] =	sst s1  }
0xa: {  	[smem:$0x3FAA] =	sst s2  }
0xb: {  	[smem:$0x3FAB] =	sst s3  }
0xc: {  	[smem:$0x3FAC] =	sst s4  }
0xd: {  	[smem:$0x3FAD] =	sst s5  }
0xe: {  	[smem:$0x3FAE] =	sst s6  }
0xf: {  	[smem:$0x3FAF] =	sst s7  }
0x10: {  	[smem:$0x3FB0] =	sst s8  }
0x11: {  	[smem:$0x3FB1] =	sst s9;
	s0 =	simm.s32 @!p0 $0x0  }
0x12: {  	s1 =	sld [smem:$0x3F97];
	s0 =	simm.s32 @p0 $0x1  }
0x13: {  	[smem:$0x3FB2] =	sst s0;
	s0 =	simm.s32 @!p1 $0x0  }
0x14: {  	s2 =	sld [smem:$0x3F96];
	s0 =	simm.s32 @p1 $0x1  }
0x15: {  	[smem:$0x3FB3] =	sst s0;
	s0 =	simm.s32 @!p2 $0x0  }
0x16: {  	s3 =	sld [smem:$0x3FDB];
	s0 =	simm.s32 @p2 $0x1  }
0x17: {  	s4 =	simm.s32 $0x1BF5;
	[smem:$0x3FB5] =	sst s0  }
0x18: {  	s0 =	sld [smem:$0x3F98];
	_ =	swait.ge [sflag:s4], $0x0  }
0x19: {  	s7 =	sld [smem:$0x3F99]  }
0x1a: {  	s8 =	sadd.s32 $0xFFFFE003, lr  }
0x1b: {  	s9 =	sadd.s32 $0xFFFFFEF7, lr;
	s5 =	simm.s32 $0xFFFFFFFF;
	p2 =	slt.u32 s8, $0xFFFFF086  }
0x1c: {  	p1 =	slt.u32 s9, $0xF7A;
	s5 =	simm.s32 @!p2 $0x0  }
0x1d: {  	s5 =	simm.s32 @p1 $0x1;
	p0 =	seq.s32 s7, s2  }
0x1e: {  	s7 =	smul.u32 @!p0 $0xF7A, s2;
	p2 =	seq.s32 @!p0 s5, $0x0  }
0x1f: {  	s9 =	smul.u32 $0xF7A, s1;
	s8 =	simm.s32 @!p0 $0x1BF5;
	p2 =	por !p2, p0  }
0x20: {  	[sflag:s8] =	ssyncset.s32 @!p0 $0xFFFFF086;
	s6 =	sadd.s32 @!p0 s3, s7;
	s7 =	simm.s32 @!p0 $0x108  }
0x21: {  	s3 =	sadd.s32 s3, s9;
	s6 =	sadd.s32 @!p0 $0x88, s6;
	s7 =	simm.s32 @p2 $0x1082  }
0x22: {  	[simem:s7], [sflag:s8] =	dma.local @!p0 [hbm:s6], $0xF7A  }
0x23: {  	s9 =	sor.u32 $0xD0000000, s2;
	s6 =	simm.s32 $0x108;
	_ =	swait.ge @!p0 [sflag:s8], $0x0  }
0x24: {  	s3 =	sadd.s32 $0x88, s3;
	s6 =	simm.s32 @!p1 $0x1082;
	[sflag:s4] =	ssyncset.s32 $0xFFFFF086  }
0x25: {  	[simem:s6], [sflag:s4] =	dma.local [hbm:s3], $0xF7A  }
0x26: {  	[smem:$0x3F99] =	sst s1;
	(tag) =	ssettag s2;
	_ =	strace s9  }
0x27: {  	s1 =	sld [smem:$0x3FA9]  }
0x28: {  	s2 =	sld [smem:$0x3FAA]  }
0x29: {  	s4 =	sld [smem:$0x3FAC]  }
0x2a: {  	p0 =	seq.s32 s5, $0x0;
	s5 =	sld [smem:$0x3FAD]  }
0x2b: {  	s6 =	sld [smem:$0x3FAE]  }
0x2c: {  	s7 =	sld [smem:$0x3FAF]  }
0x2d: {  	s3 =	simm.s32 $0x108;
	s8 =	sld [smem:$0x3FB0]  }
0x2e: {  	s3 =	simm.s32 @!p0 $0x1082;
	s9 =	sld [smem:$0x3FB1]  }
0x2f: {  	lr =	sadd.s32 s0, s3;
	s0 =	sld [smem:$0x3FA8]  }
0x30: {  	s3 =	sld [smem:$0x3FAB]  }
0x31: {  	[smem:$0x3FB4] =	sst s10  }
0x32: {  	s10 =	sld [smem:$0x3FB2];
	_ =	sdelay $0x3  }
0x33: {  	p0 =	seq.s32 s10, $0x1;
	s10 =	sld [smem:$0x3FB4];
	_ =	sdelay $0x3  }
0x34: {  	[smem:$0x3FB4] =	sst s10  }
0x35: {  	s10 =	sld [smem:$0x3FB3];
	_ =	sdelay $0x3  }
0x36: {  	p1 =	seq.s32 s10, $0x1;
	s10 =	sld [smem:$0x3FB4];
	_ =	sdelay $0x3  }
0x37: {  	[smem:$0x3FB4] =	sst s10  }
0x38: {  	s10 =	sld [smem:$0x3FB5]  }
0x39: {  	_ = 	snop;
	(pc) =	sbr.ind lr, $3  }
0x3a: {  	_ = 	snop  }
0x3b: {  	_ = 	snop  }
0x3c: {  	p2 =	seq.s32 s10, $0x1;
	s10 =	sld [smem:$0x3FB4]  }
0x3d: {  	_ =	shalt  }
0x3e: {  	_ =	shalt  }
0x3f: {  	_ =	shalt  }
0x40: {  	_ =	shalt  }
0x41: {  	_ =	shalt  }
0x42: {  	_ =	shalt  }
0x43: {  	_ =	shalt  }
0x44: {  	_ =	shalt  }
0x45: {  	_ =	shalt  }
0x46: {  	_ =	shalt  }
0x47: {  	_ =	shalt  }
0x48: {  	_ =	shalt  }
0x49: {  	_ =	shalt  }
0x4a: {  	_ =	shalt  }
0x4b: {  	_ =	shalt  }
0x4c: {  	_ =	shalt  }
0x4d: {  	_ =	shalt  }
0x4e: {  	_ =	shalt  }
0x4f: {  	_ =	shalt  }
0x50: {  	_ =	shalt  }
0x51: {  	_ =	shalt  }
0x52: {  	_ =	shalt  }
0x53: {  	_ =	shalt  }
0x54: {  	_ =	shalt  }
0x55: {  	_ =	shalt  }
0x56: {  	_ =	shalt  }
0x57: {  	_ =	shalt  }
0x58: {  	_ =	shalt  }
0x59: {  	_ =	shalt  }
0x5a: {  	_ =	shalt  }
0x5b: {  	_ =	shalt  }
0x5c: {  	_ =	shalt  }
0x5d: {  	_ =	shalt  }
0x5e: {  	_ =	shalt  }
0x5f: {  	_ =	shalt  }
0x60: {  	_ =	shalt  }
0x61: {  	_ =	shalt  }
0x62: {  	_ =	shalt  }
0x63: {  	_ =	shalt  }
0x64: {  	_ =	shalt  }
0x65: {  	_ =	shalt  }
0x66: {  	_ =	shalt  }
0x67: {  	_ =	shalt  }
0x68: {  	_ =	shalt  }
0x69: {  	_ =	shalt  }
0x6a: {  	_ =	shalt  }
0x6b: {  	_ =	shalt  }
0x6c: {  	_ =	shalt  }
0x6d: {  	_ =	shalt  }
0x6e: {  	_ =	shalt  }
0x6f: {  	_ =	shalt  }
0x70: {  	_ =	shalt  }
0x71: {  	_ =	shalt  }
0x72: {  	_ =	shalt  }
0x73: {  	_ =	shalt  }
0x74: {  	_ =	shalt  }
0x75: {  	_ =	shalt  }
0x76: {  	_ =	shalt  }
0x77: {  	_ =	shalt  }
0x78: {  	_ =	shalt  }
0x79: {  	_ =	shalt  }
0x7a: {  	_ =	shalt  }
0x7b: {  	_ =	shalt  }
0x7c: {  	_ =	shalt  }
0x7d: {  	_ =	shalt  }
0x7e: {  	_ =	shalt  }
0x7f: {  	_ =	shalt  }
0x80: {  	_ =	shalt  }
0x81: {  	_ =	shalt  }
0x82: {  	_ =	shalt  }
0x83: {  	_ =	shalt  }
0x84: {  	_ =	shalt  }
0x85: {  	_ =	shalt  }
0x86: {  	_ =	shalt  }
0x87: {  	_ =	shalt  }
.Lfunc_end0:
.L_simem_size_0:
called_computation_lowered:
.L_overlay_start_0:
0x88: {  	s2 =	sld [smem:$0x3FD9]  }
0x89: {  	s3 =	sld [smem:$0x3FFE];
	_ =	sdelay $0x1  }
0x8a: {  	s1 =	srdreg.scid  }
0x8b: {  	s0 =	sand.u32 $0x1, s1  }
0x8c: {  	s17 =	sshll.u32 s0, $0xA;
	s2 =	sadd.s32 s3, s2  }
0x8d: {  	s2 =	sadd.s32 s2, s17  }
0x8e: {  	[smem:$0x3FC0] =	sst s2  }
0x8f: {  	_ = 	snop  }
0x90: {  	s2 =	sld [smem:$0x3FD0];
	(tm) =	ssettm $0x1  }
0x91: {  	s18 =	sld [smem:$0x3FFB];
	_ =	sdelay $0x3  }
0x92: {  	_ =	strace s18  }
0x93: {  	s3 =	sld [smem:$0x3FFC];
	_ =	sdelay $0x3  }
0x94: {  	_ =	strace s3  }
0x95: {  	s3 =	sld [smem:$0x3FFD];
	_ =	sdelay $0x3  }
0x96: {  	_ =	strace s3  }
0x97: {  	_ =	strace $0x8FFFFFFF  }
0x98: {  	s19 =	sld [smem:$0x3FDB];
	_ =	sdelay $0x1  }
0x99: {  	s4 =	simm.s32 $_scs_section_size  }
0x9a: {  	s5 =	simm.s32 $_size__tile_overlayer_lowered;
	s6 =	simm.s32 $_tile_overlayer_lowered  }
0x9b: {  	s22 =	simm.s32 $0x1BFF;
	s21 =	sshll.u32 s6, $0x1;
	s3 =	sadd.s32 s4, s19  }
0x9c: {  	s7 =	simm.s32 $0x0;
	s20 =	sshll.u32 s5, $0x1;
	s5 =	sadd.s32 s21, s3  }
0x9d: {  	[timem:s7], [sflag:s22] =	dma.local [hbm:s5], s20  }
0x9e: {  	_ =	swait.ge [sflag:s22], s20  }
0x9f: {  	s4 =	ssub.s32 $0x0, s20;
	[sflag:s22] =	ssyncset.done $0x0  }
0xa0: {  	[sflag:s22] =	ssyncadd.s32 s4;
	_ =	sdelay $0x1  }
0xa1: {  	s23 =	simm.s32 $0x1B8B  }
0xa2: {  	_ =	swait.ge [sflag:s23], $0x1  }
0xa3: {  	[sflag:s23] =	ssyncset.done $0x0  }
0xa4: {  	s25 =	simm.s32 $0x1B8E;
	s24 =	sld [smem:$0x3FFE];
	[sflag:s23] =	ssyncadd.s32 $0xFFFFFFFF  }
0xa5: {  	s26 =	simm.s32 $execute0_lowered;
	[smem:$0x3FD2] =	sst s25  }
0xa6: {  	s5 =	sshll.u32 s26, $0x1;
	_ =	strace $0x80000046;
	[dreg:$0x1] =	wrdreg $0xFFFFFFFF  }
0xa7: {  	s28 =	simm.s32 $_size_execute0_lowered;
	s3 =	sadd.s32 s3, s5;
	[dreg:$0x0] =	wrdreg $0x0  }
0xa8: {  	s5 =	sshll.u32 s28, $0x1;
	[dreg:$0x2] =	wrdreg s3  }
0xa9: {  	[dreg:$0x3] =	wrdreg s5  }
0xaa: {  	[dreg:$0x4] =	wrdreg $0xC0  }
0xab: {  	_ =	task [dreg:s7], $0x5FFFF  }
0xac: {  	[dreg:$0x1] =	wrdreg $0xFFFFFFFF  }
0xad: {  	[dreg:$0x0] =	wrdreg $0x60  }
0xae: {  	[dreg:$0x2] =	wrdreg s2  }
0xaf: {  	[dreg:$0x3] =	wrdreg s24  }
0xb0: {  	[dreg:$0x4] =	wrdreg $0xAF000  }
0xb1: {  	[dreg:$0x5] =	wrdreg $0x9  }
0xb2: {  	_ =	task.clear_ibuf [dreg:s7], $0x6FFFF;
	_ =	strace $0x90000046  }
0xb3: {  	s29 =	simm.s32 $0x9;
	_ =	strace $0x80000048  }
0xb4: {  	_ =	swait.ge [sflag:s29], $0x1  }
0xb5: {  	[sflag:s29] =	ssyncadd.s32 $0xFFFFFFFF  }
0xb6: {  	_ =	strace $0x90000048  }
0xb7: {  	_ =	sfence  }
0xb8: {  	s30 =	sld [smem:$0x0];
	_ =	sdelay $0x2  }
0xb9: {  	s31 =	sshll.u32 s1, $0xD;
	s1 =	sshrl.u32 s1, $0x2  }
0xba: {  	s3 =	sand.u32 $0x4000, s31;
	s1 =	sadd.s32 s1, s30  }
0xbb: {  	s0 =	sor.u32 s3, s0;
	s1 =	sshll.u32 s1, $0x11  }
0xbc: {  	s0 =	sor.u32 s1, s0  }
0xbd: {  	s0 =	sadd.s32 $0x8F2B, s0  }
0xbe: {  	[sflag:s0] =	ssyncadd.remote.s32 $0x1  }
0xbf: {  	_ =	sfence.sel $0xFFFF  }
0xc0: {  	[dreg:$0x0] =	wrdreg $0xFFFFFFFF;
	(pc) =	sbr.abs _section_cstart, $3  }
0xc1: {  	[dreg:$0x1] =	wrdreg $0xFFFFFFFF  }
0xc2: {  	_ =	task.clear_ibuf [dreg:s7], $0x2FFFF;
	_ =	strace $0x9FFFFFFF  }
0xc3: {  	(tm) =	ssettm $0x7FFFFFFF  }
tec
execute0_lowered:
.L_overlay_start_1:
0x0: {  	(tag) =	ssettag $0x1  }
0x1: {  	s1 =	rddreg [dreg:$0x0]  }
0x2: {  	s6 =	rddreg [dreg:$0x1]  }
0x3: {  	s2 =	srdreg.scid;
	s0 =	stileid.u32  }
0x4: {  	s3 =	rddreg [dreg:$0x2];
	s4 =	simm.s32 $0x0;
	s17 =	simm.s32 $0x3  }
0x5: {  	s18 =	simm.s32 $0x2780;
	s19 =	simm.s32 $0x4F00;
	s20 =	simm.s32 $0x2  }
0x6: {  	s21 =	simm.s32 $0x0;
	s7 =	sand.u32 $0x1, s2;
	s2 =	rddreg [dreg:$0x3]  }
0x7: {  	s9 =	smul.u32 $0xA000, s0;
	[smem:$0x7FF] =	sst s4;
	s11 =	sadd.s32 $0x1E00, s6  }
0x8: {  	s10 =	sshll.u32 s0, $0x1;
	p0 =	sgt.u32 s0, $0x1;
	s5 =	smul.u32 $0xA0000, s7  }
0x9: {  	s28 =	sshll.u32 s0, $0x6;
	s25 =	ssub.s32 $0x2, s7;
	s7 =	sor.u32 s7, s10  }
0xa: {  	_ =	strace $0x80000047;
	s10 =	smul.u32 $0x4E, s7;
	s8 =	sadd.s32 s9, s5  }
0xb: {  	s12 =	smin.u32 s7, $0x4;
	s13 =	sshrl.u32 s25, $0x1;
	s8 =	sshrl.u32 s8, $0x3  }
0xc: {  	s5 =	sadd.s32 $0x15800, s6;
	s14 =	sadd.s32 s8, s6;
	s6 =	simm.s32 $0x1  }
0xd: {  	s7 =	simm.s32 $0x4E;
	s16 =	sadd.s32 s9, s3;
	s6 =	simm.s32 @!p0 $0x0  }
0xe: {  	s15 =	ssub.s32 s25, s13;
	s7 =	simm.s32 @!p0 $0x4F;
	s12 =	ssub.s32 s12, s6  }
0xf: {  	s9 =	sor.u32 $0x1C03, s28;
	s13 =	simm.s32 $0x80;
	s10 =	sadd.s32 s10, s12  }
0x10: {  	s16 =	sshrl.u32 s16, $0x3;
	s13 =	simm.s32 @!p0 $0x0;
	s26 =	sshll.u32 s10, $0x7  }
0x11: {  	s15 =	smax.u32 s15, $0x1;
	s8 =	simm.s32 $0x1;
	s30 =	sadd.s32 $0x4E200, s26  }
0x12: {  	s14 =	sadd.s32 $0x16C00, s14;
	s29 =	sshrl.u32 s26, $0x3;
	s31 =	sshrl.u32 s30, $0x3  }
0x13: {  	s12 =	simm.s32 $0x80;
	s10 =	sadd.s32 s11, s29;
	s11 =	sadd.s32 s11, s31  }
.LBB2_1:
0x14: {  	[spmem:s16], [sflag:s9] =	dma.local [hbm:s5], $0x1400  }
0x15: {  	_ =	swait.ge [sflag:s17], $0x1400  }
0x16: {  	[sflag:s17] =	ssyncset.done $0x0  }
0x17: {  	[sflag:s17] =	ssyncadd.s32 $0xFFFFEC00  }
0x18: {  	[tilespmem:s4], [sflag:$0x3] =	stream.linear.gather [hbm4b:s10+s4], $0x2780, $0x38;
	[tilespmem:$0x14F00] =	vst v63  }
0x19: {  	_ =	swait.ge [sflag:s17], $0x2780  }
0x1a: {  	[sflag:s17] =	ssyncset.done $0x0  }
0x1b: {  	[sflag:s17] =	ssyncadd.s32 $0xFFFFD880  }
0x1c: {  	[tilespmem:s18], [sflag:$0x3] =	stream.linear.gather [hbm4b:s11+s4], $0x2780, $0x38;
	[tilespmem:$0x14F00] =	vst v63  }
0x1d: {  	_ =	swait.ge [sflag:s17], $0x2780  }
0x1e: {  	[sflag:s17] =	ssyncset.done $0x0  }
0x1f: {  	[sflag:s17] =	ssyncadd.s32 $0xFFFFD880  }
0x20: {  	p0 =	por $0x0, $0x0;
	s23 =	simm.s32 $0x0;
	[bflag:$0x0] =	sbarrier.arrive $0xFFFF  }
0x21: {  	[tilespmem:s19], [sflag:$0x1] =	stream.indirect.gather [hbm4b:s1+s12], $0x20, s13, s12, $0xb8;
	[tilespmem:$0x14F00] =	vst v63  }
.LBB2_2:
0x22: {  	s25 =	simm.s32 $0x1  }
0x23: {  	_ =	swait.ge [sflag:s8], $0x1000;
	p1 =	slt.u32 s23, $0x2;
	s25 =	simm.s32 @!p0 $0x0  }
0x24: {  	s22 =	sadd.s32 $0x1, s23;
	[sflag:s8] =	ssyncset.done $0x0;
	s24 =	sshll.u32 s25, $0xC  }
0x25: {  	s26 =	simm.s32 @!p1 $0x2;
	[sflag:s8] =	ssyncadd.s32 $0xFFFFF000;
	s28 =	sor.u32 $0x4F10, s24  }
0x26: {  	s31 =	simm.s32 $0x0;
	p2 =	sge.u32 s22, s7;
	_ =	swait.ge @!p1 [sflag:s26], $0x2000;
	v0 =	vmov s28  }
0x27: {  	s29 =	sadd.s32 @!p2 s6, s22;
	s24 =	sand.u32 $0x1, s23;
	[sflag:s26] =	ssyncset.done @!p1 $0x0  }
0x28: {  	s28 =	sshll.u32 @!p2 s29, $0x7;
	[sflag:s26] =	ssyncadd.s32 @!p1 $0xFFFFE000;
	s26 =	sshll.u32 @!p2 s24, $0xC  }
0x29: {  	s29 =	simm.s32 @!p2 $0x80;
	s28 =	sand.u32 @!p2 $0x3FFFFF80, s28;
	s26 =	sxor.u32 @!p2 $0x5F00, s26  }
0x2a: {  	[tilespmem:s26], [sflag:$0x1] =	stream.indirect.gather @!p2 [hbm4b:s1+s29], $0x20, s28, s29, $0xb8;
	[tilespmem:$0x14F00] =	vst v63  }
0x2b: {  	v1 =	vld.idx.msk [tilespmem:v0+s31+$0xFFFFFFF0 ss:$0x1], $0xffff;
	_ =	sdelay $0x3  }
0x2c: {  	s25 =	sshll.u32 s25, $0xD  }
0x2d: {  	s26 =	sadd.s32 $0x6F20, s25;
	v2 =	vshll.u32 v1, $0x10  }
0x2e: {  	v1 =	vand.u32 $0xFFFF0000, v1;
	[tilespmem:s26+$0xFFFFFFE0] =	vst v2  }
0x2f: {  	[tilespmem:s26+$0xFFFFFFF0] =	vst v1  }
0x30: {  	s28 =	simm.s32 $0x80;
	s25 =	smov.u32 s26;
	v1 =	vld.idx.msk [tilespmem:v0+s31+$0x0 ss:$0x1], $0xffff  }
.LBB2_3:
0x31: {  	_ =	sdelay $0x2  }
0x32: {  	p1 =	sne.s32 s28, $0x3F80  }
0x33: {  	s26 =	sadd.s32 $0x40, s26;
	s29 =	smov.u32 s28;
	s28 =	sadd.s32 $0x80, s28;
	v2 =	vshll.u32 v1, $0x10;
	v1 =	vand.u32 $0xFFFF0000, v1  }
0x34: {  	[tilespmem:s25+$0x0] =	vst v2  }
0x35: {  	s29 =	sshra.s32 s29, $0x2;
	[tilespmem:s25+$0x10] =	vst v1;
	s25 =	smov.u32 s26  }
0x36: {  	v1 =	vld.idx.msk [tilespmem:v0+s29+$0xFFFFFFF0 ss:$0x1], $0xffff;
	_ =	sdelay $0x4  }
.Ltmp0:
0x37: {  	(pc) =	sbr.rel @p1 .LBB2_3-.Ltmp0, $4  }
0x38: {  	v2 =	vshll.u32 v1, $0x10;
	v1 =	vand.u32 $0xFFFF0000, v1  }
0x39: {  	[tilespmem:s26+$0xFFFFFFE0] =	vst v2  }
0x3a: {  	[tilespmem:s26+$0xFFFFFFF0] =	vst v1  }
0x3b: {  	v1 =	vld.idx.msk [tilespmem:v0+s29+$0x0 ss:$0x1], $0xffff  }
0x3c: {  	_ =	sdelay $0x2  }
0x3d: {  	s23 =	sadd.s32 s6, s23;
	p1 =	sne.s32 s22, s7  }
.Ltmp1:
0x3e: {  	s23 =	sshll.u32 s23, $0x9;
	v0 =	vshll.u32 v1, $0x10;
	(pc) =	sbr.rel @p1 .LBB2_2-.Ltmp1, $4  }
0x3f: {  	s24 =	sshll.u32 s24, $0xD;
	s23 =	sshra.s32 s23, $0x2;
	v63 =	vand.u32 $0xFFFF0000, v1;
	[tilespmem:s25+$0x0] =	vst v0  }
0x40: {  	s24 =	sadd.s32 $0x6F00, s24;
	s23 =	sadd.s32 $0x2780, s23;
	[tilespmem:s25+$0x10] =	vst v63  }
0x41: {  	[spmem:s3] =	stream.indirect.scatter.add.f32 [tilespmem:s24], [sflag:$0x2], $0x40, s23, s12, $0xb8;
	[tilespmem:$0x14F00] =	vst v63  }
0x42: {  	p0 =	por !p0, !p0;
	s23 =	smov.u32 s22  }
0x43: {  	_ =	swait.ge [sflag:s20], $0x2000  }
0x44: {  	[sflag:s20] =	ssyncset.done $0x0  }
0x45: {  	[sflag:s20] =	ssyncadd.s32 $0xFFFFE000  }
0x46: {  	_ =	swait.ge [sflag:s20], $0x2000  }
0x47: {  	s21 =	sadd.s32 $0x1, s21;
	[sflag:s20] =	ssyncset.done $0x0  }
0x48: {  	p0 =	sne.s32 s21, s15;
	[sflag:s20] =	ssyncadd.s32 $0xFFFFE000  }
.Ltmp2:
0x49: {  	[bflag:$0x0] =	sbarrier.arrive $0xFFFF;
	(pc) =	sbr.rel @p0 .LBB2_1-.Ltmp2, $4  }
0x4a: {  	[hbm:s14], [sflag:s9] =	dma.local [spmem:s16], $0x1400  }
0x4b: {  	_ =	swait.ge [sflag:s17], $0x1400  }
0x4c: {  	[sflag:s17] =	ssyncset.done $0x0  }
0x4d: {  	[sflag:s17] =	ssyncadd.s32 $0xFFFFEC00  }
0x4e: {  	_ =	sfence.sel $0x180000  }
0x4f: {  	[bflag:$0x0] =	sbarrier.arrive $0xFFFF  }
0x50: {  	p0 =	sne.s32 s0, $0x0;
	_ =	strace $0x90000047  }
0x51: {  	s0 =	sadd.s32 @!p0 $0x100000, s2;
	[bflag:$0x2] =	sbarrier.arrive $0xFFFF  }
0x52: {  	[sflag:s0] =	ssyncadd.tile.s32 @!p0 $0x1;
	_ =	shalt  }
.Lfunc_end2:
_tile_overlayer_lowered:
.L_overlay_start_2:
0x53: {  	(tag) =	ssettag $0x2  }
0x54: {  	s0 =	rddreg [dreg:$0x0];
	s2 =	stileid.u32  }
0x55: {  	s1 =	rddreg [dreg:$0x1];
	p0 =	sne.s32 s2, $0x0  }
0x56: {  	s3 =	rddreg [dreg:$0x2];
	[bflag:$0x3] =	sbarrier.arrive $0xFFFF;
	s2 =	simm.s32 @!p0 $0x1C03  }
0x57: {  	[timem:s3], [sflag:s2] =	dma.local @!p0 [hbm:s0], s1  }
0x58: {  	s0 =	simm.s32 @!p0 $0x3  }
0x59: {  	_ =	swait.ge @!p0 [sflag:s0], s1  }
0x5a: {  	s1 =	ssub.s32 @!p0 $0x0, s1;
	[sflag:s0] =	ssyncset.done @!p0 $0x0  }
0x5b: {  	[sflag:s0] =	ssyncadd.s32 @!p0 s1  }
0x5c: {  	[bflag:$0x3] =	sbarrier.arrive $0xFFFF  }
0x5d: {  	_ =	shalt  }

</sc_bundles>
